<compile_context>
chip_gen: v7x
topology: tpu7x:2x2x1
jax: 0.10.2.dev20260603
libtpu: 0.0.44.dev20260713+nightly
codegen_flags: <defaults>
</compile_context>

<pallas_src>
import functools

import jax
import jax.numpy as jnp
from jax import lax
from jax.experimental import pallas as pl
from jax.experimental.pallas import tpu as pltpu
from jax.experimental.pallas import tpu_sc as plsc

FEATDIM = 8192
OUTDIM = 8
WINDOWS_DAYS = [7, 30, 90, 365]
PRED_DAY_UNIX = 1577836800
THRESHOLDS = [PRED_DAY_UNIX - d * 86400 for d in WINDOWS_DAYS]
THR_ASC = THRESHOLDS[::-1]
NWIN = len(THRESHOLDS)
BSZ, SEQ, D2 = 256, 50, 16
EV = SEQ * D2
NGRP = EV // 16
NWORKERS = 32
PPW = BSZ // NWORKERS
INT_MIN = -2147483648
INT_MAX = 2147483647


def _sc_levels(conc, times_b):
    mesh = plsc.VectorSubcoreMesh(core_axis_name="c", subcore_axis_name="s")

    @functools.partial(
        pl.kernel,
        mesh=mesh,
        compiler_params=pltpu.CompilerParams(needs_layout_passes=False),
        out_type=(
            jax.ShapeDtypeStruct((BSZ * FEATDIM,), jnp.int32),
            jax.ShapeDtypeStruct((BSZ * 16,), jnp.int32),
        ),
        scratch_types=[
            pltpu.VMEM((PPW * EV,), jnp.int32),
            pltpu.VMEM((PPW * EV,), jnp.int32),
            pltpu.VMEM((2 * FEATDIM,), jnp.int32),
            pltpu.VMEM((PPW * 16,), jnp.int32),
            pltpu.SemaphoreType.DMA,
            pltpu.SemaphoreType.DMA,
        ],
    )
    def k(conc_hbm, times_hbm, lvl_hbm, tmm_hbm, conc_v, time_v, lvl_v, tmm_v,
          sem0, sem1):
        wid = lax.axis_index("s") * 2 + lax.axis_index("c")
        p0 = wid * PPW
        pltpu.sync_copy(conc_hbm.at[pl.ds(p0 * EV, PPW * EV)], conc_v)
        pltpu.sync_copy(times_hbm.at[pl.ds(p0 * EV, PPW * EV)], time_v)

        neg1 = jnp.full((16,), -1, jnp.int32)

        def init(j, carry):
            lvl_v[pl.ds(j * 16, 16)] = neg1
            return carry

        lax.fori_loop(0, 2 * FEATDIM // 16, init, 0)

        sems = (sem0, sem1)
        copies = [None, None]
        lane = lax.iota(jnp.int32, 16)
        for i in range(PPW):
            buf = i & 1
            if copies[buf] is not None:
                copies[buf].wait()
            p = p0 + i
            stamp = p * 8
            vals = [jnp.full((16,), stamp + kk, jnp.int32) for kk in (1, 2, 3, 4)]

            def grp0(g, carry):
                tmin, t0max = carry
                c = conc_v[pl.ds(i * EV + g * 16, 16)]
                t = time_v[pl.ds(i * EV + g * 16, 16)]
                coff = c + buf * FEATDIM
                plsc.store_scatter(lvl_v, [coff], vals[0], mask=t >= THR_ASC[0])
                tmin = jnp.minimum(tmin, t)
                t0max = jnp.maximum(t0max, jnp.where(c == 0, t, INT_MIN))
                return tmin, t0max

            tmin, t0max = lax.fori_loop(
                0, NGRP, grp0,
                (jnp.full((16,), INT_MAX, jnp.int32),
                 jnp.full((16,), INT_MIN, jnp.int32)),
            )

            for kk in range(1, NWIN):
                def grpk(g, carry, kk=kk):
                    c = conc_v[pl.ds(i * EV + g * 16, 16)]
                    t = time_v[pl.ds(i * EV + g * 16, 16)]
                    coff = c + buf * FEATDIM
                    plsc.store_scatter(
                        lvl_v, [coff], vals[kk], mask=t >= THR_ASC[kk]
                    )
                    return carry

                lax.fori_loop(0, NGRP, grpk, 0)
            plsc.store_scatter(
                lvl_v,
                [jnp.full((16,), buf * FEATDIM, jnp.int32)],
                neg1,
                mask=lane == 0,
            )
            tmn = jnp.min(tmin)
            t0m = jnp.max(t0max)
            tmm_v[pl.ds(i * 16, 16)] = jnp.where(
                lane == 0, tmn, jnp.where(lane == 1, t0m, 0)
            )
            copies[buf] = pltpu.async_copy(
                lvl_v.at[pl.ds(buf * FEATDIM, FEATDIM)],
                lvl_hbm.at[pl.ds(p * FEATDIM, FEATDIM)],
                sems[buf],
            )
        for cp in copies:
            if cp is not None:
                cp.wait()
        pltpu.sync_copy(tmm_v, tmm_hbm.at[pl.ds(p0 * 16, PPW * 16)])

    return k(conc, times_b)


def _tc_head(lvl, tmm, w4d, w0, bias):
    kblk = 1024
    nk = FEATDIM // kblk
    dn = (((1,), (1,)), ((), ()))

    def body(lvl_ref, w1, w2, w3, w4, tmm_ref, w0_ref, b_ref, o_ref, acc_ref):
        kk = pl.program_id(0)

        @pl.when(kk == 0)
        def _():
            acc_ref[...] = jnp.zeros_like(acc_ref)

        v = lvl_ref[...]
        prow = lax.broadcasted_iota(jnp.int32, (BSZ, kblk), 0)
        lev = v - (prow << 3)
        acc = acc_ref[...]
        cum = jnp.zeros((OUTDIM, kblk), jnp.float32)
        for ll, wref in ((1, w4), (2, w3), (3, w2), (4, w1)):
            cum = cum + wref[...]
            m = (lev == ll).astype(jnp.bfloat16)
            acc += lax.dot_general(
                m, cum.astype(jnp.bfloat16), dn,
                preferred_element_type=jnp.float32,
            )
        acc_ref[...] = acc

        @pl.when(kk == nk - 1)
        def _():
            tmin = tmm_ref[:, 0:1]
            t0max = tmm_ref[:, 1:2]
            wcol = lax.broadcasted_iota(jnp.int32, (1, NWIN), 1)
            thrv = jnp.full((1, NWIN), THRESHOLDS[0], jnp.int32)
            for j in range(1, NWIN):
                thrv = jnp.where(wcol == j, THRESHOLDS[j], thrv)
            flags = ((tmin < thrv) | (t0max >= thrv)).astype(jnp.float32)
            o_ref[...] = (
                acc_ref[...]
                + jnp.dot(flags, w0_ref[...], preferred_element_type=jnp.float32)
                + b_ref[...]
            )

    wspecs = [
        pl.BlockSpec((OUTDIM, kblk), lambda k, j=j: (0, j * nk + k))
        for j in range(NWIN)
    ]
    return pl.pallas_call(
        body,
        grid=(nk,),
        in_specs=[
            pl.BlockSpec((BSZ, kblk), lambda k: (0, k)),
            *wspecs,
            pl.BlockSpec((BSZ, 16), lambda k: (0, 0)),
            pl.BlockSpec((NWIN, OUTDIM), lambda k: (0, 0)),
            pl.BlockSpec((1, OUTDIM), lambda k: (0, 0)),
        ],
        out_specs=pl.BlockSpec((BSZ, OUTDIM), lambda k: (0, 0)),
        out_shape=jax.ShapeDtypeStruct((BSZ, OUTDIM), jnp.float32),
        scratch_shapes=[pltpu.VMEM((BSZ, OUTDIM), jnp.float32)],
    )(lvl, w4d, w4d, w4d, w4d, tmm, w0, bias)


def kernel(concept_tensor, times, W, b):
    bsz = concept_tensor.shape[0]
    conc = concept_tensor.reshape(bsz * EV)
    times_b = jnp.broadcast_to(times[:, :, None], (bsz, SEQ, D2)).reshape(bsz * EV)

    w0 = W.reshape(OUTDIM, NWIN, FEATDIM)[:, :, 0].T

    lvl, tmm = _sc_levels(conc, times_b)
    lvl = lvl.reshape(BSZ, FEATDIM)
    tmm = tmm.reshape(BSZ, 16)
    return _tc_head(lvl, tmm, W, w0, b.reshape(1, OUTDIM))

# --- scband reference (transcript-rebuilt; emitter-appended) ---
"""Pipeline reference for scband-windowed-linear-85504208929310 (READ-ONLY COPY).

The authoritative reference and input builder live on the scoring server;
editing this copy changes nothing except your own understanding.
"""

import jax, jax.numpy as jnp
import numpy as np

FEATDIM = 8192
OUTDIM = 8
WINDOWS_DAYS = [7, 30, 90, 365]
PRED_DAY_UNIX = 1577836800  # pd.Timestamp('2020-01-01') in unix seconds
WINDOWS = [PRED_DAY_UNIX - d * 86400 for d in WINDOWS_DAYS]
BSZ, SEQ, D2 = 256, 50, 16


def _make_matrix_onehot(tensor_3d):
    bsz, d1, d2 = tensor_3d.shape
    matrix_view = tensor_3d.reshape((-1, d2))
    N = matrix_view.shape[0]
    rows = jnp.broadcast_to(jnp.arange(N)[:, None], matrix_view.shape)
    xoh = jnp.zeros((N, FEATDIM), dtype=jnp.float32).at[rows, matrix_view].set(1.0)
    matrix_onehot = (xoh.reshape((bsz, d1, -1)).sum(axis=1) > 0).astype(jnp.float32)
    return matrix_onehot


def setup_inputs(seed: int = 0):
    key = jax.random.key(seed)
    k1, k2, k3, k4 = jax.random.split(key, 4)
    concept_tensor = jax.random.randint(k1, (BSZ, SEQ, D2), 0, FEATDIM, dtype=jnp.int32)
    times = jax.random.randint(k2, (BSZ, SEQ), 0, PRED_DAY_UNIX, dtype=jnp.int32)
    W = jax.random.normal(k3, (OUTDIM, len(WINDOWS_DAYS) * FEATDIM), dtype=jnp.float32) * 0.01
    b = jax.random.normal(k4, (OUTDIM,), dtype=jnp.float32) * 0.01
    return {"concept_tensor": concept_tensor, "times": times, "W": W, "b": b}


def reference(concept_tensor, times, W, b):
    window_onehots = []
    for w in WINDOWS:
        time_mask = (times >= w) & (times >= 0)
        mask3d = time_mask[:, :, None].astype(concept_tensor.dtype)
        window_tensor = concept_tensor * mask3d
        window_onehots.append(_make_matrix_onehot(window_tensor))
    patient_onehot = jnp.concatenate(window_onehots, axis=1)
    return patient_onehot @ W.T + b

if __name__ == "__main__":
    import jax
    _d = setup_inputs()
    print(jax.jit(kernel)(*tuple(_d.values())))

</pallas_src>

<mosaic_0001>
#map = affine_map<(d0, d1) -> (0)>
module attributes {stable_mosaic.version = 14 : i64} {
  func.func @k(%arg0: i32, %arg1: i32, %arg2: memref<204800xi32, #tpu.memory_space<hbm>>, %arg3: memref<204800xi32, #tpu.memory_space<hbm>>, %arg4: memref<2097152xi32, #tpu.memory_space<hbm>>, %arg5: memref<4096xi32, #tpu.memory_space<hbm>>, %arg6: memref<6400xi32, #tpu.memory_space<vmem>>, %arg7: memref<6400xi32, #tpu.memory_space<vmem>>, %arg8: memref<16384xi32, #tpu.memory_space<vmem>>, %arg9: memref<128xi32, #tpu.memory_space<vmem>>, %arg10: memref<!tpu.dma_semaphore, #tpu.memory_space<semaphore_mem>>, %arg11: memref<!tpu.dma_semaphore, #tpu.memory_space<semaphore_mem>>) attributes {dimension_semantics = [#tpu.dimension_semantics<core_parallel>, #tpu.dimension_semantics<subcore_parallel>], iteration_bounds = array<i64: 2, 16>, scalar_prefetch = 0 : i64, scratch_operands = 6 : i64, tpu.core_type = #tpu.core_type<sc_vector_subcore>, window_params = [{transform_indices = #map}, {transform_indices = #map}, {transform_indices = #map}, {transform_indices = #map}]} {
    %mul3A = arith.constant 2 : i32
    %mul3A_0 = arith.muli %arg1, %mul3A : i32
    %add3A = arith.addi %mul3A_0, %arg0 : i32
    %mul3A_1 = arith.constant 8 : i32
    %mul3A_2 = arith.muli %add3A, %mul3A_1 : i32
    %mul3A_3 = arith.constant 800 : i32
    %mul3A_4 = arith.muli %mul3A_2, %mul3A_3 : i32
    "tpu.region"() ({
      %run_scoped3A = tpu.sem_alloc : memref<!tpu.dma_semaphore, #tpu.memory_space<semaphore_mem>>
      %dma_start3A_751 = tpu.memref_slice %arg2[%mul3A_4] : memref<204800xi32, #tpu.memory_space<hbm>> -> memref<6400xi32, #tpu.memory_space<hbm>>
      %dma_start3A_752 = tpu.memref_slice %arg2[%mul3A_4] : memref<204800xi32, #tpu.memory_space<hbm>> -> memref<6400xi32, #tpu.memory_space<hbm>>
      tpu.enqueue_dma source(%dma_start3A_752 : memref<6400xi32, #tpu.memory_space<hbm>>) target(%arg6 : memref<6400xi32, #tpu.memory_space<vmem>>) target_semaphore(%run_scoped3A : memref<!tpu.dma_semaphore, #tpu.memory_space<semaphore_mem>>)
      %dma_wait3A_753 = tpu.memref_slice %arg2[%mul3A_4] : memref<204800xi32, #tpu.memory_space<hbm>> -> memref<6400xi32, #tpu.memory_space<hbm>>
      %dma_wait3A_754 = tpu.memref_slice %arg2[%mul3A_4] : memref<204800xi32, #tpu.memory_space<hbm>> -> memref<6400xi32, #tpu.memory_space<hbm>>
      tpu.wait_dma2 semaphore(%run_scoped3A : memref<!tpu.dma_semaphore, #tpu.memory_space<semaphore_mem>>) src(%dma_wait3A_754 : memref<6400xi32, #tpu.memory_space<hbm>>) dst(%arg6 : memref<6400xi32, #tpu.memory_space<vmem>>)
      tpu.yield
    }) : () -> ()
    %mul3A_5 = arith.constant 800 : i32
    %mul3A_6 = arith.muli %mul3A_2, %mul3A_5 : i32
    "tpu.region"() ({
      %run_scoped3A = tpu.sem_alloc : memref<!tpu.dma_semaphore, #tpu.memory_space<semaphore_mem>>
      %dma_start3A_751 = tpu.memref_slice %arg3[%mul3A_6] : memref<204800xi32, #tpu.memory_space<hbm>> -> memref<6400xi32, #tpu.memory_space<hbm>>
      %dma_start3A_752 = tpu.memref_slice %arg3[%mul3A_6] : memref<204800xi32, #tpu.memory_space<hbm>> -> memref<6400xi32, #tpu.memory_space<hbm>>
      tpu.enqueue_dma source(%dma_start3A_752 : memref<6400xi32, #tpu.memory_space<hbm>>) target(%arg7 : memref<6400xi32, #tpu.memory_space<vmem>>) target_semaphore(%run_scoped3A : memref<!tpu.dma_semaphore, #tpu.memory_space<semaphore_mem>>)
      %dma_wait3A_753 = tpu.memref_slice %arg3[%mul3A_6] : memref<204800xi32, #tpu.memory_space<hbm>> -> memref<6400xi32, #tpu.memory_space<hbm>>
      %dma_wait3A_754 = tpu.memref_slice %arg3[%mul3A_6] : memref<204800xi32, #tpu.memory_space<hbm>> -> memref<6400xi32, #tpu.memory_space<hbm>>
      tpu.wait_dma2 semaphore(%run_scoped3A : memref<!tpu.dma_semaphore, #tpu.memory_space<semaphore_mem>>) src(%dma_wait3A_754 : memref<6400xi32, #tpu.memory_space<hbm>>) dst(%arg7 : memref<6400xi32, #tpu.memory_space<vmem>>)
      tpu.yield
    }) : () -> ()
    %broadcast_in_dim3A = arith.constant -1 : i32
    %broadcast_in_dim3A_7 = vector.broadcast %broadcast_in_dim3A : i32 to vector<16xi32>
    %scan3A = arith.constant 0 : i32
    %scan3A_8 = arith.constant 0 : i32
    %scan3A_9 = arith.constant 1024 : i32
    %scan3A_10 = arith.addi %scan3A_8, %scan3A_9 : i32
    %scan3A_11 = arith.constant 1 : i32
    scf.for %scan3A_751 = %scan3A_8 to %scan3A_10 step %scan3A_11  : i32 {
      %mul3A_752 = arith.constant 16 : i32
      %mul3A_753 = arith.muli %scan3A_751, %mul3A_752 : i32
      %swap3A_754 = arith.index_cast %mul3A_753 : i32 to index
      %swap3A_755 = tpu.vector_load %arg8[%swap3A_754] {strides = array<i32>} : memref<16384xi32, #tpu.memory_space<vmem>>, vector<16xi32>,
      tpu.vector_store %arg8[%swap3A_754], %broadcast_in_dim3A_7 {strides = array<i32>} : memref<16384xi32, #tpu.memory_space<vmem>>, vector<16xi32>,
    }
    %scan3A_12 = arith.constant 1024 : i32
    %iota3A = tpu.iota {dimensions = array<i32: 0>} : vector<16xi32>
    %add3A_13 = arith.constant 0 : i32
    %add3A_14 = arith.addi %mul3A_2, %add3A_13 : i32
    %mul3A_15 = arith.constant 8 : i32
    %mul3A_16 = arith.muli %add3A_14, %mul3A_15 : i32
    %add3A_17 = arith.constant 1 : i32
    %add3A_18 = arith.addi %mul3A_16, %add3A_17 : i32
    %broadcast_in_dim3A_19 = vector.broadcast %add3A_18 : i32 to vector<16xi32>
    %add3A_20 = arith.constant 2 : i32
    %add3A_21 = arith.addi %mul3A_16, %add3A_20 : i32
    %broadcast_in_dim3A_22 = vector.broadcast %add3A_21 : i32 to vector<16xi32>
    %add3A_23 = arith.constant 3 : i32
    %add3A_24 = arith.addi %mul3A_16, %add3A_23 : i32
    %broadcast_in_dim3A_25 = vector.broadcast %add3A_24 : i32 to vector<16xi32>
    %add3A_26 = arith.constant 4 : i32
    %add3A_27 = arith.addi %mul3A_16, %add3A_26 : i32
    %broadcast_in_dim3A_28 = vector.broadcast %add3A_27 : i32 to vector<16xi32>
    %broadcast_in_dim3A_29 = arith.constant 2147483647 : i32
    %broadcast_in_dim3A_30 = vector.broadcast %broadcast_in_dim3A_29 : i32 to vector<16xi32>
    %broadcast_in_dim3A_31 = arith.constant -2147483648 : i32
    %broadcast_in_dim3A_32 = vector.broadcast %broadcast_in_dim3A_31 : i32 to vector<16xi32>
    %scan3A_33 = arith.constant 0 : i32
    %scan3A_34 = arith.constant 50 : i32
    %scan3A_35 = arith.addi %scan3A_33, %scan3A_34 : i32
    %scan3A_36 = arith.constant 1 : i32
    %scan3A_37:2 = scf.for %scan3A_751 = %scan3A_33 to %scan3A_35 step %scan3A_36 iter_args(%scan3A_752 = %broadcast_in_dim3A_30, %scan3A_753 = %broadcast_in_dim3A_32) -> (vector<16xi32>, vector<16xi32>)  : i32 {
      %mul3A_754 = arith.constant 16 : i32
      %mul3A_755 = arith.muli %scan3A_751, %mul3A_754 : i32
      %add3A_756 = arith.constant 0 : i32
      %add3A_757 = arith.addi %add3A_756, %mul3A_755 : i32
      %get3A = arith.index_cast %add3A_757 : i32 to index
      %get3A_758 = tpu.vector_load %arg6[%get3A] {strides = array<i32>} : memref<6400xi32, #tpu.memory_space<vmem>>, vector<16xi32>,
      %mul3A_759 = arith.constant 16 : i32
      %mul3A_760 = arith.muli %scan3A_751, %mul3A_759 : i32
      %add3A_761 = arith.constant 0 : i32
      %add3A_762 = arith.addi %add3A_761, %mul3A_760 : i32
      %get3A_763 = arith.index_cast %add3A_762 : i32 to index
      %get3A_764 = tpu.vector_load %arg7[%get3A_763] {strides = array<i32>} : memref<6400xi32, #tpu.memory_space<vmem>>, vector<16xi32>,
      %add3A_765 = arith.constant 0 : i32
      %add3A_766 = vector.broadcast %add3A_765 : i32 to vector<16xi32>
      %add3A_767 = arith.addi %get3A_758, %add3A_766 : vector<16xi32>
      %ge3A = arith.constant 1546300800 : i32
      %ge3A_768 = vector.broadcast %ge3A : i32 to vector<16xi32>
      %ge3A_769 = arith.cmpi sge, %get3A_764, %ge3A_768 : vector<16xi32>
      tpu.vector_store_idx %arg8[%add3A_767], %broadcast_in_dim3A_19 masked %ge3A_769 : memref<16384xi32, #tpu.memory_space<vmem>>[vector<16xi32>], vector<16xi32>, vector<16xi1>
      %min3A = arith.minsi %scan3A_752, %get3A_764 : vector<16xi32>
      %eq3A_770 = arith.constant 0 : i32
      %eq3A_771 = vector.broadcast %eq3A_770 : i32 to vector<16xi32>
      %eq3A_772 = arith.cmpi eq, %get3A_758, %eq3A_771 : vector<16xi32>
      %jit3A_773 = arith.constant -2147483648 : i32
      %broadcast_in_dim3A_774 = vector.broadcast %jit3A_773 : i32 to vector<16xi32>
      %select_n3A_775 = arith.select %eq3A_772, %get3A_764, %broadcast_in_dim3A_774 : vector<16xi1>, vector<16xi32>
      %max3A = arith.maxsi %scan3A_753, %select_n3A_775 : vector<16xi32>
      scf.yield %min3A, %max3A : vector<16xi32>, vector<16xi32>
    }
    %scan3A_38 = arith.constant 50 : i32
    %scan3A_39 = arith.constant 0 : i32
    %scan3A_40 = arith.constant 0 : i32
    %scan3A_41 = arith.constant 50 : i32
    %scan3A_42 = arith.addi %scan3A_40, %scan3A_41 : i32
    %scan3A_43 = arith.constant 1 : i32
    scf.for %scan3A_751 = %scan3A_40 to %scan3A_42 step %scan3A_43  : i32 {
      %mul3A_752 = arith.constant 16 : i32
      %mul3A_753 = arith.muli %scan3A_751, %mul3A_752 : i32
      %add3A_754 = arith.constant 0 : i32
      %add3A_755 = arith.addi %add3A_754, %mul3A_753 : i32
      %get3A = arith.index_cast %add3A_755 : i32 to index
      %get3A_756 = tpu.vector_load %arg6[%get3A] {strides = array<i32>} : memref<6400xi32, #tpu.memory_space<vmem>>, vector<16xi32>,
      %mul3A_757 = arith.constant 16 : i32
      %mul3A_758 = arith.muli %scan3A_751, %mul3A_757 : i32
      %add3A_759 = arith.constant 0 : i32
      %add3A_760 = arith.addi %add3A_759, %mul3A_758 : i32
      %get3A_761 = arith.index_cast %add3A_760 : i32 to index
      %get3A_762 = tpu.vector_load %arg7[%get3A_761] {strides = array<i32>} : memref<6400xi32, #tpu.memory_space<vmem>>, vector<16xi32>,
      %add3A_763 = arith.constant 0 : i32
      %add3A_764 = vector.broadcast %add3A_763 : i32 to vector<16xi32>
      %add3A_765 = arith.addi %get3A_756, %add3A_764 : vector<16xi32>
      %ge3A = arith.constant 1570060800 : i32
      %ge3A_766 = vector.broadcast %ge3A : i32 to vector<16xi32>
      %ge3A_767 = arith.cmpi sge, %get3A_762, %ge3A_766 : vector<16xi32>
      tpu.vector_store_idx %arg8[%add3A_765], %broadcast_in_dim3A_22 masked %ge3A_767 : memref<16384xi32, #tpu.memory_space<vmem>>[vector<16xi32>], vector<16xi32>, vector<16xi1>
    }
    %scan3A_44 = arith.constant 50 : i32
    %scan3A_45 = arith.constant 0 : i32
    %scan3A_46 = arith.constant 0 : i32
    %scan3A_47 = arith.constant 50 : i32
    %scan3A_48 = arith.addi %scan3A_46, %scan3A_47 : i32
    %scan3A_49 = arith.constant 1 : i32
    scf.for %scan3A_751 = %scan3A_46 to %scan3A_48 step %scan3A_49  : i32 {
      %mul3A_752 = arith.constant 16 : i32
      %mul3A_753 = arith.muli %scan3A_751, %mul3A_752 : i32
      %add3A_754 = arith.constant 0 : i32
      %add3A_755 = arith.addi %add3A_754, %mul3A_753 : i32
      %get3A = arith.index_cast %add3A_755 : i32 to index
      %get3A_756 = tpu.vector_load %arg6[%get3A] {strides = array<i32>} : memref<6400xi32, #tpu.memory_space<vmem>>, vector<16xi32>,
      %mul3A_757 = arith.constant 16 : i32
      %mul3A_758 = arith.muli %scan3A_751, %mul3A_757 : i32
      %add3A_759 = arith.constant 0 : i32
      %add3A_760 = arith.addi %add3A_759, %mul3A_758 : i32
      %get3A_761 = arith.index_cast %add3A_760 : i32 to index
      %get3A_762 = tpu.vector_load %arg7[%get3A_761] {strides = array<i32>} : memref<6400xi32, #tpu.memory_space<vmem>>, vector<16xi32>,
      %add3A_763 = arith.constant 0 : i32
      %add3A_764 = vector.broadcast %add3A_763 : i32 to vector<16xi32>
      %add3A_765 = arith.addi %get3A_756, %add3A_764 : vector<16xi32>
      %ge3A = arith.constant 1575244800 : i32
      %ge3A_766 = vector.broadcast %ge3A : i32 to vector<16xi32>
      %ge3A_767 = arith.cmpi sge, %get3A_762, %ge3A_766 : vector<16xi32>
      tpu.vector_store_idx %arg8[%add3A_765], %broadcast_in_dim3A_25 masked %ge3A_767 : memref<16384xi32, #tpu.memory_space<vmem>>[vector<16xi32>], vector<16xi32>, vector<16xi1>
    }
    %scan3A_50 = arith.constant 50 : i32
    %scan3A_51 = arith.constant 0 : i32
    %scan3A_52 = arith.constant 0 : i32
    %scan3A_53 = arith.constant 50 : i32
    %scan3A_54 = arith.addi %scan3A_52, %scan3A_53 : i32
    %scan3A_55 = arith.constant 1 : i32
    scf.for %scan3A_751 = %scan3A_52 to %scan3A_54 step %scan3A_55  : i32 {
      %mul3A_752 = arith.constant 16 : i32
      %mul3A_753 = arith.muli %scan3A_751, %mul3A_752 : i32
      %add3A_754 = arith.constant 0 : i32
      %add3A_755 = arith.addi %add3A_754, %mul3A_753 : i32
      %get3A = arith.index_cast %add3A_755 : i32 to index
      %get3A_756 = tpu.vector_load %arg6[%get3A] {strides = array<i32>} : memref<6400xi32, #tpu.memory_space<vmem>>, vector<16xi32>,
      %mul3A_757 = arith.constant 16 : i32
      %mul3A_758 = arith.muli %scan3A_751, %mul3A_757 : i32
      %add3A_759 = arith.constant 0 : i32
      %add3A_760 = arith.addi %add3A_759, %mul3A_758 : i32
      %get3A_761 = arith.index_cast %add3A_760 : i32 to index
      %get3A_762 = tpu.vector_load %arg7[%get3A_761] {strides = array<i32>} : memref<6400xi32, #tpu.memory_space<vmem>>, vector<16xi32>,
      %add3A_763 = arith.constant 0 : i32
      %add3A_764 = vector.broadcast %add3A_763 : i32 to vector<16xi32>
      %add3A_765 = arith.addi %get3A_756, %add3A_764 : vector<16xi32>
      %ge3A = arith.constant 1577232000 : i32
      %ge3A_766 = vector.broadcast %ge3A : i32 to vector<16xi32>
      %ge3A_767 = arith.cmpi sge, %get3A_762, %ge3A_766 : vector<16xi32>
      tpu.vector_store_idx %arg8[%add3A_765], %broadcast_in_dim3A_28 masked %ge3A_767 : memref<16384xi32, #tpu.memory_space<vmem>>[vector<16xi32>], vector<16xi32>, vector<16xi1>
    }
    %scan3A_56 = arith.constant 50 : i32
    %broadcast_in_dim3A_57 = arith.constant 0 : i32
    %broadcast_in_dim3A_58 = vector.broadcast %broadcast_in_dim3A_57 : i32 to vector<16xi32>
    %eq3A = arith.constant 0 : i32
    %eq3A_59 = vector.broadcast %eq3A : i32 to vector<16xi32>
    %eq3A_60 = arith.cmpi eq, %iota3A, %eq3A_59 : vector<16xi32>
    tpu.vector_store_idx %arg8[%broadcast_in_dim3A_58], %broadcast_in_dim3A_7 masked %eq3A_60 : memref<16384xi32, #tpu.memory_space<vmem>>[vector<16xi32>], vector<16xi32>, vector<16xi1>
    %reduce_min3A = arith.constant true
    %reduce_min3A_61 = vector.broadcast %reduce_min3A : i1 to vector<16xi1>
    %reduce_min3A_62 = arith.constant -2147483648 : i32
    %reduce_min3A_63 = vector.broadcast %reduce_min3A_62 : i32 to vector<16xi32>
    %reduce_min3A_64 = arith.xori %scan3A_37#0, %reduce_min3A_63 : vector<16xi32>
    %reduce_min3A_65 = tpu.scan <min>, %reduce_min3A_64 masked %reduce_min3A_61 : vector<16xi32>, vector<16xi1> -> vector<16xi32>
    %reduce_min3A_66 = arith.xori %reduce_min3A_65, %reduce_min3A_63 : vector<16xi32>
    %reduce_min3A_67 = vector.extract %reduce_min3A_66[15] : i32 from vector<16xi32>
    %reduce_max3A = arith.constant true
    %reduce_max3A_68 = vector.broadcast %reduce_max3A : i1 to vector<16xi1>
    %reduce_max3A_69 = arith.constant -2147483648 : i32
    %reduce_max3A_70 = vector.broadcast %reduce_max3A_69 : i32 to vector<16xi32>
    %reduce_max3A_71 = arith.xori %scan3A_37#1, %reduce_max3A_70 : vector<16xi32>
    %reduce_max3A_72 = tpu.scan <max>, %reduce_max3A_71 masked %reduce_max3A_68 : vector<16xi32>, vector<16xi1> -> vector<16xi32>
    %reduce_max3A_73 = arith.xori %reduce_max3A_72, %reduce_max3A_70 : vector<16xi32>
    %reduce_max3A_74 = vector.extract %reduce_max3A_73[15] : i32 from vector<16xi32>
    %eq3A_75 = arith.constant 0 : i32
    %eq3A_76 = vector.broadcast %eq3A_75 : i32 to vector<16xi32>
    %eq3A_77 = arith.cmpi eq, %iota3A, %eq3A_76 : vector<16xi32>
    %eq3A_78 = arith.constant 1 : i32
    %eq3A_79 = vector.broadcast %eq3A_78 : i32 to vector<16xi32>
    %eq3A_80 = arith.cmpi eq, %iota3A, %eq3A_79 : vector<16xi32>
    %jit3A = arith.constant 0 : i32
    %broadcast_in_dim3A_81 = vector.broadcast %reduce_max3A_74 : i32 to vector<16xi32>
    %broadcast_in_dim3A_82 = vector.broadcast %jit3A : i32 to vector<16xi32>
    %select_n3A = arith.select %eq3A_80, %broadcast_in_dim3A_81, %broadcast_in_dim3A_82 : vector<16xi1>, vector<16xi32>
    %broadcast_in_dim3A_83 = vector.broadcast %reduce_min3A_67 : i32 to vector<16xi32>
    %select_n3A_84 = arith.select %eq3A_77, %broadcast_in_dim3A_83, %select_n3A : vector<16xi1>, vector<16xi32>
    %swap3A = arith.constant 0 : index
    %swap3A_85 = tpu.vector_load %arg9[%swap3A] {strides = array<i32>} : memref<128xi32, #tpu.memory_space<vmem>>, vector<16xi32>,
    tpu.vector_store %arg9[%swap3A], %select_n3A_84 {strides = array<i32>} : memref<128xi32, #tpu.memory_space<vmem>>, vector<16xi32>,
    %mul3A_86 = arith.constant 8192 : i32
    %mul3A_87 = arith.muli %add3A_14, %mul3A_86 : i32
    %dma_start3A = arith.constant 0 : i32
    %dma_start3A_88 = tpu.memref_slice %arg8[%dma_start3A] : memref<16384xi32, #tpu.memory_space<vmem>> -> memref<8192xi32, #tpu.memory_space<vmem>>
    %dma_start3A_89 = tpu.memref_slice %arg4[%mul3A_87] : memref<2097152xi32, #tpu.memory_space<hbm>> -> memref<8192xi32, #tpu.memory_space<hbm>>
    %dma_start3A_90 = tpu.memref_slice %arg4[%mul3A_87] : memref<2097152xi32, #tpu.memory_space<hbm>> -> memref<8192xi32, #tpu.memory_space<hbm>>
    %dma_start3A_91 = arith.constant 0 : i32
    %dma_start3A_92 = tpu.memref_slice %arg8[%dma_start3A_91] : memref<16384xi32, #tpu.memory_space<vmem>> -> memref<8192xi32, #tpu.memory_space<vmem>>
    tpu.enqueue_dma source(%dma_start3A_92 : memref<8192xi32, #tpu.memory_space<vmem>>) target(%dma_start3A_90 : memref<8192xi32, #tpu.memory_space<hbm>>) target_semaphore(%arg10 : memref<!tpu.dma_semaphore, #tpu.memory_space<semaphore_mem>>)
    %add3A_93 = arith.constant 1 : i32
    %add3A_94 = arith.addi %mul3A_2, %add3A_93 : i32
    %mul3A_95 = arith.constant 8 : i32
    %mul3A_96 = arith.muli %add3A_94, %mul3A_95 : i32
    %add3A_97 = arith.constant 1 : i32
    %add3A_98 = arith.addi %mul3A_96, %add3A_97 : i32
    %broadcast_in_dim3A_99 = vector.broadcast %add3A_98 : i32 to vector<16xi32>
    %add3A_100 = arith.constant 2 : i32
    %add3A_101 = arith.addi %mul3A_96, %add3A_100 : i32
    %broadcast_in_dim3A_102 = vector.broadcast %add3A_101 : i32 to vector<16xi32>
    %add3A_103 = arith.constant 3 : i32
    %add3A_104 = arith.addi %mul3A_96, %add3A_103 : i32
    %broadcast_in_dim3A_105 = vector.broadcast %add3A_104 : i32 to vector<16xi32>
    %add3A_106 = arith.constant 4 : i32
    %add3A_107 = arith.addi %mul3A_96, %add3A_106 : i32
    %broadcast_in_dim3A_108 = vector.broadcast %add3A_107 : i32 to vector<16xi32>
    %broadcast_in_dim3A_109 = arith.constant 2147483647 : i32
    %broadcast_in_dim3A_110 = vector.broadcast %broadcast_in_dim3A_109 : i32 to vector<16xi32>
    %broadcast_in_dim3A_111 = arith.constant -2147483648 : i32
    %broadcast_in_dim3A_112 = vector.broadcast %broadcast_in_dim3A_111 : i32 to vector<16xi32>
    %scan3A_113 = arith.constant 0 : i32
    %scan3A_114 = arith.constant 50 : i32
    %scan3A_115 = arith.addi %scan3A_113, %scan3A_114 : i32
    %scan3A_116 = arith.constant 1 : i32
    %scan3A_117:2 = scf.for %scan3A_751 = %scan3A_113 to %scan3A_115 step %scan3A_116 iter_args(%scan3A_752 = %broadcast_in_dim3A_110, %scan3A_753 = %broadcast_in_dim3A_112) -> (vector<16xi32>, vector<16xi32>)  : i32 {
      %mul3A_754 = arith.constant 16 : i32
      %mul3A_755 = arith.muli %scan3A_751, %mul3A_754 : i32
      %add3A_756 = arith.constant 800 : i32
      %add3A_757 = arith.addi %add3A_756, %mul3A_755 : i32
      %get3A = arith.index_cast %add3A_757 : i32 to index
      %get3A_758 = tpu.vector_load %arg6[%get3A] {strides = array<i32>} : memref<6400xi32, #tpu.memory_space<vmem>>, vector<16xi32>,
      %mul3A_759 = arith.constant 16 : i32
      %mul3A_760 = arith.muli %scan3A_751, %mul3A_759 : i32
      %add3A_761 = arith.constant 800 : i32
      %add3A_762 = arith.addi %add3A_761, %mul3A_760 : i32
      %get3A_763 = arith.index_cast %add3A_762 : i32 to index
      %get3A_764 = tpu.vector_load %arg7[%get3A_763] {strides = array<i32>} : memref<6400xi32, #tpu.memory_space<vmem>>, vector<16xi32>,
      %add3A_765 = arith.constant 8192 : i32
      %add3A_766 = vector.broadcast %add3A_765 : i32 to vector<16xi32>
      %add3A_767 = arith.addi %get3A_758, %add3A_766 : vector<16xi32>
      %ge3A = arith.constant 1546300800 : i32
      %ge3A_768 = vector.broadcast %ge3A : i32 to vector<16xi32>
      %ge3A_769 = arith.cmpi sge, %get3A_764, %ge3A_768 : vector<16xi32>
      tpu.vector_store_idx %arg8[%add3A_767], %broadcast_in_dim3A_99 masked %ge3A_769 : memref<16384xi32, #tpu.memory_space<vmem>>[vector<16xi32>], vector<16xi32>, vector<16xi1>
      %min3A = arith.minsi %scan3A_752, %get3A_764 : vector<16xi32>
      %eq3A_770 = arith.constant 0 : i32
      %eq3A_771 = vector.broadcast %eq3A_770 : i32 to vector<16xi32>
      %eq3A_772 = arith.cmpi eq, %get3A_758, %eq3A_771 : vector<16xi32>
      %jit3A_773 = arith.constant -2147483648 : i32
      %broadcast_in_dim3A_774 = vector.broadcast %jit3A_773 : i32 to vector<16xi32>
      %select_n3A_775 = arith.select %eq3A_772, %get3A_764, %broadcast_in_dim3A_774 : vector<16xi1>, vector<16xi32>
      %max3A = arith.maxsi %scan3A_753, %select_n3A_775 : vector<16xi32>
      scf.yield %min3A, %max3A : vector<16xi32>, vector<16xi32>
    }
    %scan3A_118 = arith.constant 50 : i32
    %scan3A_119 = arith.constant 0 : i32
    %scan3A_120 = arith.constant 0 : i32
    %scan3A_121 = arith.constant 50 : i32
    %scan3A_122 = arith.addi %scan3A_120, %scan3A_121 : i32
    %scan3A_123 = arith.constant 1 : i32
    scf.for %scan3A_751 = %scan3A_120 to %scan3A_122 step %scan3A_123  : i32 {
      %mul3A_752 = arith.constant 16 : i32
      %mul3A_753 = arith.muli %scan3A_751, %mul3A_752 : i32
      %add3A_754 = arith.constant 800 : i32
      %add3A_755 = arith.addi %add3A_754, %mul3A_753 : i32
      %get3A = arith.index_cast %add3A_755 : i32 to index
      %get3A_756 = tpu.vector_load %arg6[%get3A] {strides = array<i32>} : memref<6400xi32, #tpu.memory_space<vmem>>, vector<16xi32>,
      %mul3A_757 = arith.constant 16 : i32
      %mul3A_758 = arith.muli %scan3A_751, %mul3A_757 : i32
      %add3A_759 = arith.constant 800 : i32
      %add3A_760 = arith.addi %add3A_759, %mul3A_758 : i32
      %get3A_761 = arith.index_cast %add3A_760 : i32 to index
      %get3A_762 = tpu.vector_load %arg7[%get3A_761] {strides = array<i32>} : memref<6400xi32, #tpu.memory_space<vmem>>, vector<16xi32>,
      %add3A_763 = arith.constant 8192 : i32
      %add3A_764 = vector.broadcast %add3A_763 : i32 to vector<16xi32>
      %add3A_765 = arith.addi %get3A_756, %add3A_764 : vector<16xi32>
      %ge3A = arith.constant 1570060800 : i32
      %ge3A_766 = vector.broadcast %ge3A : i32 to vector<16xi32>
      %ge3A_767 = arith.cmpi sge, %get3A_762, %ge3A_766 : vector<16xi32>
      tpu.vector_store_idx %arg8[%add3A_765], %broadcast_in_dim3A_102 masked %ge3A_767 : memref<16384xi32, #tpu.memory_space<vmem>>[vector<16xi32>], vector<16xi32>, vector<16xi1>
    }
    %scan3A_124 = arith.constant 50 : i32
    %scan3A_125 = arith.constant 0 : i32
    %scan3A_126 = arith.constant 0 : i32
    %scan3A_127 = arith.constant 50 : i32
    %scan3A_128 = arith.addi %scan3A_126, %scan3A_127 : i32
    %scan3A_129 = arith.constant 1 : i32
    scf.for %scan3A_751 = %scan3A_126 to %scan3A_128 step %scan3A_129  : i32 {
      %mul3A_752 = arith.constant 16 : i32
      %mul3A_753 = arith.muli %scan3A_751, %mul3A_752 : i32
      %add3A_754 = arith.constant 800 : i32
      %add3A_755 = arith.addi %add3A_754, %mul3A_753 : i32
      %get3A = arith.index_cast %add3A_755 : i32 to index
      %get3A_756 = tpu.vector_load %arg6[%get3A] {strides = array<i32>} : memref<6400xi32, #tpu.memory_space<vmem>>, vector<16xi32>,
      %mul3A_757 = arith.constant 16 : i32
      %mul3A_758 = arith.muli %scan3A_751, %mul3A_757 : i32
      %add3A_759 = arith.constant 800 : i32
      %add3A_760 = arith.addi %add3A_759, %mul3A_758 : i32
      %get3A_761 = arith.index_cast %add3A_760 : i32 to index
      %get3A_762 = tpu.vector_load %arg7[%get3A_761] {strides = array<i32>} : memref<6400xi32, #tpu.memory_space<vmem>>, vector<16xi32>,
      %add3A_763 = arith.constant 8192 : i32
      %add3A_764 = vector.broadcast %add3A_763 : i32 to vector<16xi32>
      %add3A_765 = arith.addi %get3A_756, %add3A_764 : vector<16xi32>
      %ge3A = arith.constant 1575244800 : i32
      %ge3A_766 = vector.broadcast %ge3A : i32 to vector<16xi32>
      %ge3A_767 = arith.cmpi sge, %get3A_762, %ge3A_766 : vector<16xi32>
      tpu.vector_store_idx %arg8[%add3A_765], %broadcast_in_dim3A_105 masked %ge3A_767 : memref<16384xi32, #tpu.memory_space<vmem>>[vector<16xi32>], vector<16xi32>, vector<16xi1>
    }
    %scan3A_130 = arith.constant 50 : i32
    %scan3A_131 = arith.constant 0 : i32
    %scan3A_132 = arith.constant 0 : i32
    %scan3A_133 = arith.constant 50 : i32
    %scan3A_134 = arith.addi %scan3A_132, %scan3A_133 : i32
    %scan3A_135 = arith.constant 1 : i32
    scf.for %scan3A_751 = %scan3A_132 to %scan3A_134 step %scan3A_135  : i32 {
      %mul3A_752 = arith.constant 16 : i32
      %mul3A_753 = arith.muli %scan3A_751, %mul3A_752 : i32
      %add3A_754 = arith.constant 800 : i32
      %add3A_755 = arith.addi %add3A_754, %mul3A_753 : i32
      %get3A = arith.index_cast %add3A_755 : i32 to index
      %get3A_756 = tpu.vector_load %arg6[%get3A] {strides = array<i32>} : memref<6400xi32, #tpu.memory_space<vmem>>, vector<16xi32>,
      %mul3A_757 = arith.constant 16 : i32
      %mul3A_758 = arith.muli %scan3A_751, %mul3A_757 : i32
      %add3A_759 = arith.constant 800 : i32
      %add3A_760 = arith.addi %add3A_759, %mul3A_758 : i32
      %get3A_761 = arith.index_cast %add3A_760 : i32 to index
      %get3A_762 = tpu.vector_load %arg7[%get3A_761] {strides = array<i32>} : memref<6400xi32, #tpu.memory_space<vmem>>, vector<16xi32>,
      %add3A_763 = arith.constant 8192 : i32
      %add3A_764 = vector.broadcast %add3A_763 : i32 to vector<16xi32>
      %add3A_765 = arith.addi %get3A_756, %add3A_764 : vector<16xi32>
      %ge3A = arith.constant 1577232000 : i32
      %ge3A_766 = vector.broadcast %ge3A : i32 to vector<16xi32>
      %ge3A_767 = arith.cmpi sge, %get3A_762, %ge3A_766 : vector<16xi32>
      tpu.vector_store_idx %arg8[%add3A_765], %broadcast_in_dim3A_108 masked %ge3A_767 : memref<16384xi32, #tpu.memory_space<vmem>>[vector<16xi32>], vector<16xi32>, vector<16xi1>
    }
    %scan3A_136 = arith.constant 50 : i32
    %broadcast_in_dim3A_137 = arith.constant 8192 : i32
    %broadcast_in_dim3A_138 = vector.broadcast %broadcast_in_dim3A_137 : i32 to vector<16xi32>
    %eq3A_139 = arith.constant 0 : i32
    %eq3A_140 = vector.broadcast %eq3A_139 : i32 to vector<16xi32>
    %eq3A_141 = arith.cmpi eq, %iota3A, %eq3A_140 : vector<16xi32>
    tpu.vector_store_idx %arg8[%broadcast_in_dim3A_138], %broadcast_in_dim3A_7 masked %eq3A_141 : memref<16384xi32, #tpu.memory_space<vmem>>[vector<16xi32>], vector<16xi32>, vector<16xi1>
    %reduce_min3A_142 = arith.constant true
    %reduce_min3A_143 = vector.broadcast %reduce_min3A_142 : i1 to vector<16xi1>
    %reduce_min3A_144 = arith.constant -2147483648 : i32
    %reduce_min3A_145 = vector.broadcast %reduce_min3A_144 : i32 to vector<16xi32>
    %reduce_min3A_146 = arith.xori %scan3A_117#0, %reduce_min3A_145 : vector<16xi32>
    %reduce_min3A_147 = tpu.scan <min>, %reduce_min3A_146 masked %reduce_min3A_143 : vector<16xi32>, vector<16xi1> -> vector<16xi32>
    %reduce_min3A_148 = arith.xori %reduce_min3A_147, %reduce_min3A_145 : vector<16xi32>
    %reduce_min3A_149 = vector.extract %reduce_min3A_148[15] : i32 from vector<16xi32>
    %reduce_max3A_150 = arith.constant true
    %reduce_max3A_151 = vector.broadcast %reduce_max3A_150 : i1 to vector<16xi1>
    %reduce_max3A_152 = arith.constant -2147483648 : i32
    %reduce_max3A_153 = vector.broadcast %reduce_max3A_152 : i32 to vector<16xi32>
    %reduce_max3A_154 = arith.xori %scan3A_117#1, %reduce_max3A_153 : vector<16xi32>
    %reduce_max3A_155 = tpu.scan <max>, %reduce_max3A_154 masked %reduce_max3A_151 : vector<16xi32>, vector<16xi1> -> vector<16xi32>
    %reduce_max3A_156 = arith.xori %reduce_max3A_155, %reduce_max3A_153 : vector<16xi32>
    %reduce_max3A_157 = vector.extract %reduce_max3A_156[15] : i32 from vector<16xi32>
    %eq3A_158 = arith.constant 0 : i32
    %eq3A_159 = vector.broadcast %eq3A_158 : i32 to vector<16xi32>
    %eq3A_160 = arith.cmpi eq, %iota3A, %eq3A_159 : vector<16xi32>
    %eq3A_161 = arith.constant 1 : i32
    %eq3A_162 = vector.broadcast %eq3A_161 : i32 to vector<16xi32>
    %eq3A_163 = arith.cmpi eq, %iota3A, %eq3A_162 : vector<16xi32>
    %jit3A_164 = arith.constant 0 : i32
    %broadcast_in_dim3A_165 = vector.broadcast %reduce_max3A_157 : i32 to vector<16xi32>
    %broadcast_in_dim3A_166 = vector.broadcast %jit3A_164 : i32 to vector<16xi32>
    %select_n3A_167 = arith.select %eq3A_163, %broadcast_in_dim3A_165, %broadcast_in_dim3A_166 : vector<16xi1>, vector<16xi32>
    %broadcast_in_dim3A_168 = vector.broadcast %reduce_min3A_149 : i32 to vector<16xi32>
    %select_n3A_169 = arith.select %eq3A_160, %broadcast_in_dim3A_168, %select_n3A_167 : vector<16xi1>, vector<16xi32>
    %swap3A_170 = arith.constant 16 : index
    %swap3A_171 = tpu.vector_load %arg9[%swap3A_170] {strides = array<i32>} : memref<128xi32, #tpu.memory_space<vmem>>, vector<16xi32>,
    tpu.vector_store %arg9[%swap3A_170], %select_n3A_169 {strides = array<i32>} : memref<128xi32, #tpu.memory_space<vmem>>, vector<16xi32>,
    %mul3A_172 = arith.constant 8192 : i32
    %mul3A_173 = arith.muli %add3A_94, %mul3A_172 : i32
    %dma_start3A_174 = arith.constant 8192 : i32
    %dma_start3A_175 = tpu.memref_slice %arg8[%dma_start3A_174] : memref<16384xi32, #tpu.memory_space<vmem>> -> memref<8192xi32, #tpu.memory_space<vmem>>
    %dma_start3A_176 = tpu.memref_slice %arg4[%mul3A_173] : memref<2097152xi32, #tpu.memory_space<hbm>> -> memref<8192xi32, #tpu.memory_space<hbm>>
    %dma_start3A_177 = tpu.memref_slice %arg4[%mul3A_173] : memref<2097152xi32, #tpu.memory_space<hbm>> -> memref<8192xi32, #tpu.memory_space<hbm>>
    %dma_start3A_178 = arith.constant 8192 : i32
    %dma_start3A_179 = tpu.memref_slice %arg8[%dma_start3A_178] : memref<16384xi32, #tpu.memory_space<vmem>> -> memref<8192xi32, #tpu.memory_space<vmem>>
    tpu.enqueue_dma source(%dma_start3A_179 : memref<8192xi32, #tpu.memory_space<vmem>>) target(%dma_start3A_177 : memref<8192xi32, #tpu.memory_space<hbm>>) target_semaphore(%arg11 : memref<!tpu.dma_semaphore, #tpu.memory_space<semaphore_mem>>)
    %dma_wait3A = arith.constant 0 : i32
    %dma_wait3A_180 = tpu.memref_slice %arg8[%dma_wait3A] : memref<16384xi32, #tpu.memory_space<vmem>> -> memref<8192xi32, #tpu.memory_space<vmem>>
    %dma_wait3A_181 = tpu.memref_slice %arg4[%mul3A_87] : memref<2097152xi32, #tpu.memory_space<hbm>> -> memref<8192xi32, #tpu.memory_space<hbm>>
    %dma_wait3A_182 = tpu.memref_slice %arg4[%mul3A_87] : memref<2097152xi32, #tpu.memory_space<hbm>> -> memref<8192xi32, #tpu.memory_space<hbm>>
    %dma_wait3A_183 = arith.constant 0 : i32
    %dma_wait3A_184 = tpu.memref_slice %arg8[%dma_wait3A_183] : memref<16384xi32, #tpu.memory_space<vmem>> -> memref<8192xi32, #tpu.memory_space<vmem>>
    tpu.wait_dma2 semaphore(%arg10 : memref<!tpu.dma_semaphore, #tpu.memory_space<semaphore_mem>>) src(%dma_wait3A_184 : memref<8192xi32, #tpu.memory_space<vmem>>) dst(%dma_wait3A_182 : memref<8192xi32, #tpu.memory_space<hbm>>)
    %add3A_185 = arith.constant 2 : i32
    %add3A_186 = arith.addi %mul3A_2, %add3A_185 : i32
    %mul3A_187 = arith.constant 8 : i32
    %mul3A_188 = arith.muli %add3A_186, %mul3A_187 : i32
    %add3A_189 = arith.constant 1 : i32
    %add3A_190 = arith.addi %mul3A_188, %add3A_189 : i32
    %broadcast_in_dim3A_191 = vector.broadcast %add3A_190 : i32 to vector<16xi32>
    %add3A_192 = arith.constant 2 : i32
    %add3A_193 = arith.addi %mul3A_188, %add3A_192 : i32
    %broadcast_in_dim3A_194 = vector.broadcast %add3A_193 : i32 to vector<16xi32>
    %add3A_195 = arith.constant 3 : i32
    %add3A_196 = arith.addi %mul3A_188, %add3A_195 : i32
    %broadcast_in_dim3A_197 = vector.broadcast %add3A_196 : i32 to vector<16xi32>
    %add3A_198 = arith.constant 4 : i32
    %add3A_199 = arith.addi %mul3A_188, %add3A_198 : i32
    %broadcast_in_dim3A_200 = vector.broadcast %add3A_199 : i32 to vector<16xi32>
    %broadcast_in_dim3A_201 = arith.constant 2147483647 : i32
    %broadcast_in_dim3A_202 = vector.broadcast %broadcast_in_dim3A_201 : i32 to vector<16xi32>
    %broadcast_in_dim3A_203 = arith.constant -2147483648 : i32
    %broadcast_in_dim3A_204 = vector.broadcast %broadcast_in_dim3A_203 : i32 to vector<16xi32>
    %scan3A_205 = arith.constant 0 : i32
    %scan3A_206 = arith.constant 50 : i32
    %scan3A_207 = arith.addi %scan3A_205, %scan3A_206 : i32
    %scan3A_208 = arith.constant 1 : i32
    %scan3A_209:2 = scf.for %scan3A_751 = %scan3A_205 to %scan3A_207 step %scan3A_208 iter_args(%scan3A_752 = %broadcast_in_dim3A_202, %scan3A_753 = %broadcast_in_dim3A_204) -> (vector<16xi32>, vector<16xi32>)  : i32 {
      %mul3A_754 = arith.constant 16 : i32
      %mul3A_755 = arith.muli %scan3A_751, %mul3A_754 : i32
      %add3A_756 = arith.constant 1600 : i32
      %add3A_757 = arith.addi %add3A_756, %mul3A_755 : i32
      %get3A = arith.index_cast %add3A_757 : i32 to index
      %get3A_758 = tpu.vector_load %arg6[%get3A] {strides = array<i32>} : memref<6400xi32, #tpu.memory_space<vmem>>, vector<16xi32>,
      %mul3A_759 = arith.constant 16 : i32
      %mul3A_760 = arith.muli %scan3A_751, %mul3A_759 : i32
      %add3A_761 = arith.constant 1600 : i32
      %add3A_762 = arith.addi %add3A_761, %mul3A_760 : i32
      %get3A_763 = arith.index_cast %add3A_762 : i32 to index
      %get3A_764 = tpu.vector_load %arg7[%get3A_763] {strides = array<i32>} : memref<6400xi32, #tpu.memory_space<vmem>>, vector<16xi32>,
      %add3A_765 = arith.constant 0 : i32
      %add3A_766 = vector.broadcast %add3A_765 : i32 to vector<16xi32>
      %add3A_767 = arith.addi %get3A_758, %add3A_766 : vector<16xi32>
      %ge3A = arith.constant 1546300800 : i32
      %ge3A_768 = vector.broadcast %ge3A : i32 to vector<16xi32>
      %ge3A_769 = arith.cmpi sge, %get3A_764, %ge3A_768 : vector<16xi32>
      tpu.vector_store_idx %arg8[%add3A_767], %broadcast_in_dim3A_191 masked %ge3A_769 : memref<16384xi32, #tpu.memory_space<vmem>>[vector<16xi32>], vector<16xi32>, vector<16xi1>
      %min3A = arith.minsi %scan3A_752, %get3A_764 : vector<16xi32>
      %eq3A_770 = arith.constant 0 : i32
      %eq3A_771 = vector.broadcast %eq3A_770 : i32 to vector<16xi32>
      %eq3A_772 = arith.cmpi eq, %get3A_758, %eq3A_771 : vector<16xi32>
      %jit3A_773 = arith.constant -2147483648 : i32
      %broadcast_in_dim3A_774 = vector.broadcast %jit3A_773 : i32 to vector<16xi32>
      %select_n3A_775 = arith.select %eq3A_772, %get3A_764, %broadcast_in_dim3A_774 : vector<16xi1>, vector<16xi32>
      %max3A = arith.maxsi %scan3A_753, %select_n3A_775 : vector<16xi32>
      scf.yield %min3A, %max3A : vector<16xi32>, vector<16xi32>
    }
    %scan3A_210 = arith.constant 50 : i32
    %scan3A_211 = arith.constant 0 : i32
    %scan3A_212 = arith.constant 0 : i32
    %scan3A_213 = arith.constant 50 : i32
    %scan3A_214 = arith.addi %scan3A_212, %scan3A_213 : i32
    %scan3A_215 = arith.constant 1 : i32
    scf.for %scan3A_751 = %scan3A_212 to %scan3A_214 step %scan3A_215  : i32 {
      %mul3A_752 = arith.constant 16 : i32
      %mul3A_753 = arith.muli %scan3A_751, %mul3A_752 : i32
      %add3A_754 = arith.constant 1600 : i32
      %add3A_755 = arith.addi %add3A_754, %mul3A_753 : i32
      %get3A = arith.index_cast %add3A_755 : i32 to index
      %get3A_756 = tpu.vector_load %arg6[%get3A] {strides = array<i32>} : memref<6400xi32, #tpu.memory_space<vmem>>, vector<16xi32>,
      %mul3A_757 = arith.constant 16 : i32
      %mul3A_758 = arith.muli %scan3A_751, %mul3A_757 : i32
      %add3A_759 = arith.constant 1600 : i32
      %add3A_760 = arith.addi %add3A_759, %mul3A_758 : i32
      %get3A_761 = arith.index_cast %add3A_760 : i32 to index
      %get3A_762 = tpu.vector_load %arg7[%get3A_761] {strides = array<i32>} : memref<6400xi32, #tpu.memory_space<vmem>>, vector<16xi32>,
      %add3A_763 = arith.constant 0 : i32
      %add3A_764 = vector.broadcast %add3A_763 : i32 to vector<16xi32>
      %add3A_765 = arith.addi %get3A_756, %add3A_764 : vector<16xi32>
      %ge3A = arith.constant 1570060800 : i32
      %ge3A_766 = vector.broadcast %ge3A : i32 to vector<16xi32>
      %ge3A_767 = arith.cmpi sge, %get3A_762, %ge3A_766 : vector<16xi32>
      tpu.vector_store_idx %arg8[%add3A_765], %broadcast_in_dim3A_194 masked %ge3A_767 : memref<16384xi32, #tpu.memory_space<vmem>>[vector<16xi32>], vector<16xi32>, vector<16xi1>
    }
    %scan3A_216 = arith.constant 50 : i32
    %scan3A_217 = arith.constant 0 : i32
    %scan3A_218 = arith.constant 0 : i32
    %scan3A_219 = arith.constant 50 : i32
    %scan3A_220 = arith.addi %scan3A_218, %scan3A_219 : i32
    %scan3A_221 = arith.constant 1 : i32
    scf.for %scan3A_751 = %scan3A_218 to %scan3A_220 step %scan3A_221  : i32 {
      %mul3A_752 = arith.constant 16 : i32
      %mul3A_753 = arith.muli %scan3A_751, %mul3A_752 : i32
      %add3A_754 = arith.constant 1600 : i32
      %add3A_755 = arith.addi %add3A_754, %mul3A_753 : i32
      %get3A = arith.index_cast %add3A_755 : i32 to index
      %get3A_756 = tpu.vector_load %arg6[%get3A] {strides = array<i32>} : memref<6400xi32, #tpu.memory_space<vmem>>, vector<16xi32>,
      %mul3A_757 = arith.constant 16 : i32
      %mul3A_758 = arith.muli %scan3A_751, %mul3A_757 : i32
      %add3A_759 = arith.constant 1600 : i32
      %add3A_760 = arith.addi %add3A_759, %mul3A_758 : i32
      %get3A_761 = arith.index_cast %add3A_760 : i32 to index
      %get3A_762 = tpu.vector_load %arg7[%get3A_761] {strides = array<i32>} : memref<6400xi32, #tpu.memory_space<vmem>>, vector<16xi32>,
      %add3A_763 = arith.constant 0 : i32
      %add3A_764 = vector.broadcast %add3A_763 : i32 to vector<16xi32>
      %add3A_765 = arith.addi %get3A_756, %add3A_764 : vector<16xi32>
      %ge3A = arith.constant 1575244800 : i32
      %ge3A_766 = vector.broadcast %ge3A : i32 to vector<16xi32>
      %ge3A_767 = arith.cmpi sge, %get3A_762, %ge3A_766 : vector<16xi32>
      tpu.vector_store_idx %arg8[%add3A_765], %broadcast_in_dim3A_197 masked %ge3A_767 : memref<16384xi32, #tpu.memory_space<vmem>>[vector<16xi32>], vector<16xi32>, vector<16xi1>
    }
    %scan3A_222 = arith.constant 50 : i32
    %scan3A_223 = arith.constant 0 : i32
    %scan3A_224 = arith.constant 0 : i32
    %scan3A_225 = arith.constant 50 : i32
    %scan3A_226 = arith.addi %scan3A_224, %scan3A_225 : i32
    %scan3A_227 = arith.constant 1 : i32
    scf.for %scan3A_751 = %scan3A_224 to %scan3A_226 step %scan3A_227  : i32 {
      %mul3A_752 = arith.constant 16 : i32
      %mul3A_753 = arith.muli %scan3A_751, %mul3A_752 : i32
      %add3A_754 = arith.constant 1600 : i32
      %add3A_755 = arith.addi %add3A_754, %mul3A_753 : i32
      %get3A = arith.index_cast %add3A_755 : i32 to index
      %get3A_756 = tpu.vector_load %arg6[%get3A] {strides = array<i32>} : memref<6400xi32, #tpu.memory_space<vmem>>, vector<16xi32>,
      %mul3A_757 = arith.constant 16 : i32
      %mul3A_758 = arith.muli %scan3A_751, %mul3A_757 : i32
      %add3A_759 = arith.constant 1600 : i32
      %add3A_760 = arith.addi %add3A_759, %mul3A_758 : i32
      %get3A_761 = arith.index_cast %add3A_760 : i32 to index
      %get3A_762 = tpu.vector_load %arg7[%get3A_761] {strides = array<i32>} : memref<6400xi32, #tpu.memory_space<vmem>>, vector<16xi32>,
      %add3A_763 = arith.constant 0 : i32
      %add3A_764 = vector.broadcast %add3A_763 : i32 to vector<16xi32>
      %add3A_765 = arith.addi %get3A_756, %add3A_764 : vector<16xi32>
      %ge3A = arith.constant 1577232000 : i32
      %ge3A_766 = vector.broadcast %ge3A : i32 to vector<16xi32>
      %ge3A_767 = arith.cmpi sge, %get3A_762, %ge3A_766 : vector<16xi32>
      tpu.vector_store_idx %arg8[%add3A_765], %broadcast_in_dim3A_200 masked %ge3A_767 : memref<16384xi32, #tpu.memory_space<vmem>>[vector<16xi32>], vector<16xi32>, vector<16xi1>
    }
    %scan3A_228 = arith.constant 50 : i32
    %broadcast_in_dim3A_229 = arith.constant 0 : i32
    %broadcast_in_dim3A_230 = vector.broadcast %broadcast_in_dim3A_229 : i32 to vector<16xi32>
    %eq3A_231 = arith.constant 0 : i32
    %eq3A_232 = vector.broadcast %eq3A_231 : i32 to vector<16xi32>
    %eq3A_233 = arith.cmpi eq, %iota3A, %eq3A_232 : vector<16xi32>
    tpu.vector_store_idx %arg8[%broadcast_in_dim3A_230], %broadcast_in_dim3A_7 masked %eq3A_233 : memref<16384xi32, #tpu.memory_space<vmem>>[vector<16xi32>], vector<16xi32>, vector<16xi1>
    %reduce_min3A_234 = arith.constant true
    %reduce_min3A_235 = vector.broadcast %reduce_min3A_234 : i1 to vector<16xi1>
    %reduce_min3A_236 = arith.constant -2147483648 : i32
    %reduce_min3A_237 = vector.broadcast %reduce_min3A_236 : i32 to vector<16xi32>
    %reduce_min3A_238 = arith.xori %scan3A_209#0, %reduce_min3A_237 : vector<16xi32>
    %reduce_min3A_239 = tpu.scan <min>, %reduce_min3A_238 masked %reduce_min3A_235 : vector<16xi32>, vector<16xi1> -> vector<16xi32>
    %reduce_min3A_240 = arith.xori %reduce_min3A_239, %reduce_min3A_237 : vector<16xi32>
    %reduce_min3A_241 = vector.extract %reduce_min3A_240[15] : i32 from vector<16xi32>
    %reduce_max3A_242 = arith.constant true
    %reduce_max3A_243 = vector.broadcast %reduce_max3A_242 : i1 to vector<16xi1>
    %reduce_max3A_244 = arith.constant -2147483648 : i32
    %reduce_max3A_245 = vector.broadcast %reduce_max3A_244 : i32 to vector<16xi32>
    %reduce_max3A_246 = arith.xori %scan3A_209#1, %reduce_max3A_245 : vector<16xi32>
    %reduce_max3A_247 = tpu.scan <max>, %reduce_max3A_246 masked %reduce_max3A_243 : vector<16xi32>, vector<16xi1> -> vector<16xi32>
    %reduce_max3A_248 = arith.xori %reduce_max3A_247, %reduce_max3A_245 : vector<16xi32>
    %reduce_max3A_249 = vector.extract %reduce_max3A_248[15] : i32 from vector<16xi32>
    %eq3A_250 = arith.constant 0 : i32
    %eq3A_251 = vector.broadcast %eq3A_250 : i32 to vector<16xi32>
    %eq3A_252 = arith.cmpi eq, %iota3A, %eq3A_251 : vector<16xi32>
    %eq3A_253 = arith.constant 1 : i32
    %eq3A_254 = vector.broadcast %eq3A_253 : i32 to vector<16xi32>
    %eq3A_255 = arith.cmpi eq, %iota3A, %eq3A_254 : vector<16xi32>
    %jit3A_256 = arith.constant 0 : i32
    %broadcast_in_dim3A_257 = vector.broadcast %reduce_max3A_249 : i32 to vector<16xi32>
    %broadcast_in_dim3A_258 = vector.broadcast %jit3A_256 : i32 to vector<16xi32>
    %select_n3A_259 = arith.select %eq3A_255, %broadcast_in_dim3A_257, %broadcast_in_dim3A_258 : vector<16xi1>, vector<16xi32>
    %broadcast_in_dim3A_260 = vector.broadcast %reduce_min3A_241 : i32 to vector<16xi32>
    %select_n3A_261 = arith.select %eq3A_252, %broadcast_in_dim3A_260, %select_n3A_259 : vector<16xi1>, vector<16xi32>
    %swap3A_262 = arith.constant 32 : index
    %swap3A_263 = tpu.vector_load %arg9[%swap3A_262] {strides = array<i32>} : memref<128xi32, #tpu.memory_space<vmem>>, vector<16xi32>,
    tpu.vector_store %arg9[%swap3A_262], %select_n3A_261 {strides = array<i32>} : memref<128xi32, #tpu.memory_space<vmem>>, vector<16xi32>,
    %mul3A_264 = arith.constant 8192 : i32
    %mul3A_265 = arith.muli %add3A_186, %mul3A_264 : i32
    %dma_start3A_266 = arith.constant 0 : i32
    %dma_start3A_267 = tpu.memref_slice %arg8[%dma_start3A_266] : memref<16384xi32, #tpu.memory_space<vmem>> -> memref<8192xi32, #tpu.memory_space<vmem>>
    %dma_start3A_268 = tpu.memref_slice %arg4[%mul3A_265] : memref<2097152xi32, #tpu.memory_space<hbm>> -> memref<8192xi32, #tpu.memory_space<hbm>>
    %dma_start3A_269 = tpu.memref_slice %arg4[%mul3A_265] : memref<2097152xi32, #tpu.memory_space<hbm>> -> memref<8192xi32, #tpu.memory_space<hbm>>
    %dma_start3A_270 = arith.constant 0 : i32
    %dma_start3A_271 = tpu.memref_slice %arg8[%dma_start3A_270] : memref<16384xi32, #tpu.memory_space<vmem>> -> memref<8192xi32, #tpu.memory_space<vmem>>
    tpu.enqueue_dma source(%dma_start3A_271 : memref<8192xi32, #tpu.memory_space<vmem>>) target(%dma_start3A_269 : memref<8192xi32, #tpu.memory_space<hbm>>) target_semaphore(%arg10 : memref<!tpu.dma_semaphore, #tpu.memory_space<semaphore_mem>>)
    %dma_wait3A_272 = arith.constant 8192 : i32
    %dma_wait3A_273 = tpu.memref_slice %arg8[%dma_wait3A_272] : memref<16384xi32, #tpu.memory_space<vmem>> -> memref<8192xi32, #tpu.memory_space<vmem>>
    %dma_wait3A_274 = tpu.memref_slice %arg4[%mul3A_173] : memref<2097152xi32, #tpu.memory_space<hbm>> -> memref<8192xi32, #tpu.memory_space<hbm>>
    %dma_wait3A_275 = tpu.memref_slice %arg4[%mul3A_173] : memref<2097152xi32, #tpu.memory_space<hbm>> -> memref<8192xi32, #tpu.memory_space<hbm>>
    %dma_wait3A_276 = arith.constant 8192 : i32
    %dma_wait3A_277 = tpu.memref_slice %arg8[%dma_wait3A_276] : memref<16384xi32, #tpu.memory_space<vmem>> -> memref<8192xi32, #tpu.memory_space<vmem>>
    tpu.wait_dma2 semaphore(%arg11 : memref<!tpu.dma_semaphore, #tpu.memory_space<semaphore_mem>>) src(%dma_wait3A_277 : memref<8192xi32, #tpu.memory_space<vmem>>) dst(%dma_wait3A_275 : memref<8192xi32, #tpu.memory_space<hbm>>)
    %add3A_278 = arith.constant 3 : i32
    %add3A_279 = arith.addi %mul3A_2, %add3A_278 : i32
    %mul3A_280 = arith.constant 8 : i32
    %mul3A_281 = arith.muli %add3A_279, %mul3A_280 : i32
    %add3A_282 = arith.constant 1 : i32
    %add3A_283 = arith.addi %mul3A_281, %add3A_282 : i32
    %broadcast_in_dim3A_284 = vector.broadcast %add3A_283 : i32 to vector<16xi32>
    %add3A_285 = arith.constant 2 : i32
    %add3A_286 = arith.addi %mul3A_281, %add3A_285 : i32
    %broadcast_in_dim3A_287 = vector.broadcast %add3A_286 : i32 to vector<16xi32>
    %add3A_288 = arith.constant 3 : i32
    %add3A_289 = arith.addi %mul3A_281, %add3A_288 : i32
    %broadcast_in_dim3A_290 = vector.broadcast %add3A_289 : i32 to vector<16xi32>
    %add3A_291 = arith.constant 4 : i32
    %add3A_292 = arith.addi %mul3A_281, %add3A_291 : i32
    %broadcast_in_dim3A_293 = vector.broadcast %add3A_292 : i32 to vector<16xi32>
    %broadcast_in_dim3A_294 = arith.constant 2147483647 : i32
    %broadcast_in_dim3A_295 = vector.broadcast %broadcast_in_dim3A_294 : i32 to vector<16xi32>
    %broadcast_in_dim3A_296 = arith.constant -2147483648 : i32
    %broadcast_in_dim3A_297 = vector.broadcast %broadcast_in_dim3A_296 : i32 to vector<16xi32>
    %scan3A_298 = arith.constant 0 : i32
    %scan3A_299 = arith.constant 50 : i32
    %scan3A_300 = arith.addi %scan3A_298, %scan3A_299 : i32
    %scan3A_301 = arith.constant 1 : i32
    %scan3A_302:2 = scf.for %scan3A_751 = %scan3A_298 to %scan3A_300 step %scan3A_301 iter_args(%scan3A_752 = %broadcast_in_dim3A_295, %scan3A_753 = %broadcast_in_dim3A_297) -> (vector<16xi32>, vector<16xi32>)  : i32 {
      %mul3A_754 = arith.constant 16 : i32
      %mul3A_755 = arith.muli %scan3A_751, %mul3A_754 : i32
      %add3A_756 = arith.constant 2400 : i32
      %add3A_757 = arith.addi %add3A_756, %mul3A_755 : i32
      %get3A = arith.index_cast %add3A_757 : i32 to index
      %get3A_758 = tpu.vector_load %arg6[%get3A] {strides = array<i32>} : memref<6400xi32, #tpu.memory_space<vmem>>, vector<16xi32>,
      %mul3A_759 = arith.constant 16 : i32
      %mul3A_760 = arith.muli %scan3A_751, %mul3A_759 : i32
      %add3A_761 = arith.constant 2400 : i32
      %add3A_762 = arith.addi %add3A_761, %mul3A_760 : i32
      %get3A_763 = arith.index_cast %add3A_762 : i32 to index
      %get3A_764 = tpu.vector_load %arg7[%get3A_763] {strides = array<i32>} : memref<6400xi32, #tpu.memory_space<vmem>>, vector<16xi32>,
      %add3A_765 = arith.constant 8192 : i32
      %add3A_766 = vector.broadcast %add3A_765 : i32 to vector<16xi32>
      %add3A_767 = arith.addi %get3A_758, %add3A_766 : vector<16xi32>
      %ge3A = arith.constant 1546300800 : i32
      %ge3A_768 = vector.broadcast %ge3A : i32 to vector<16xi32>
      %ge3A_769 = arith.cmpi sge, %get3A_764, %ge3A_768 : vector<16xi32>
      tpu.vector_store_idx %arg8[%add3A_767], %broadcast_in_dim3A_284 masked %ge3A_769 : memref<16384xi32, #tpu.memory_space<vmem>>[vector<16xi32>], vector<16xi32>, vector<16xi1>
      %min3A = arith.minsi %scan3A_752, %get3A_764 : vector<16xi32>
      %eq3A_770 = arith.constant 0 : i32
      %eq3A_771 = vector.broadcast %eq3A_770 : i32 to vector<16xi32>
      %eq3A_772 = arith.cmpi eq, %get3A_758, %eq3A_771 : vector<16xi32>
      %jit3A_773 = arith.constant -2147483648 : i32
      %broadcast_in_dim3A_774 = vector.broadcast %jit3A_773 : i32 to vector<16xi32>
      %select_n3A_775 = arith.select %eq3A_772, %get3A_764, %broadcast_in_dim3A_774 : vector<16xi1>, vector<16xi32>
      %max3A = arith.maxsi %scan3A_753, %select_n3A_775 : vector<16xi32>
      scf.yield %min3A, %max3A : vector<16xi32>, vector<16xi32>
    }
    %scan3A_303 = arith.constant 50 : i32
    %scan3A_304 = arith.constant 0 : i32
    %scan3A_305 = arith.constant 0 : i32
    %scan3A_306 = arith.constant 50 : i32
    %scan3A_307 = arith.addi %scan3A_305, %scan3A_306 : i32
    %scan3A_308 = arith.constant 1 : i32
    scf.for %scan3A_751 = %scan3A_305 to %scan3A_307 step %scan3A_308  : i32 {
      %mul3A_752 = arith.constant 16 : i32
      %mul3A_753 = arith.muli %scan3A_751, %mul3A_752 : i32
      %add3A_754 = arith.constant 2400 : i32
      %add3A_755 = arith.addi %add3A_754, %mul3A_753 : i32
      %get3A = arith.index_cast %add3A_755 : i32 to index
      %get3A_756 = tpu.vector_load %arg6[%get3A] {strides = array<i32>} : memref<6400xi32, #tpu.memory_space<vmem>>, vector<16xi32>,
      %mul3A_757 = arith.constant 16 : i32
      %mul3A_758 = arith.muli %scan3A_751, %mul3A_757 : i32
      %add3A_759 = arith.constant 2400 : i32
      %add3A_760 = arith.addi %add3A_759, %mul3A_758 : i32
      %get3A_761 = arith.index_cast %add3A_760 : i32 to index
      %get3A_762 = tpu.vector_load %arg7[%get3A_761] {strides = array<i32>} : memref<6400xi32, #tpu.memory_space<vmem>>, vector<16xi32>,
      %add3A_763 = arith.constant 8192 : i32
      %add3A_764 = vector.broadcast %add3A_763 : i32 to vector<16xi32>
      %add3A_765 = arith.addi %get3A_756, %add3A_764 : vector<16xi32>
      %ge3A = arith.constant 1570060800 : i32
      %ge3A_766 = vector.broadcast %ge3A : i32 to vector<16xi32>
      %ge3A_767 = arith.cmpi sge, %get3A_762, %ge3A_766 : vector<16xi32>
      tpu.vector_store_idx %arg8[%add3A_765], %broadcast_in_dim3A_287 masked %ge3A_767 : memref<16384xi32, #tpu.memory_space<vmem>>[vector<16xi32>], vector<16xi32>, vector<16xi1>
    }
    %scan3A_309 = arith.constant 50 : i32
    %scan3A_310 = arith.constant 0 : i32
    %scan3A_311 = arith.constant 0 : i32
    %scan3A_312 = arith.constant 50 : i32
    %scan3A_313 = arith.addi %scan3A_311, %scan3A_312 : i32
    %scan3A_314 = arith.constant 1 : i32
    scf.for %scan3A_751 = %scan3A_311 to %scan3A_313 step %scan3A_314  : i32 {
      %mul3A_752 = arith.constant 16 : i32
      %mul3A_753 = arith.muli %scan3A_751, %mul3A_752 : i32
      %add3A_754 = arith.constant 2400 : i32
      %add3A_755 = arith.addi %add3A_754, %mul3A_753 : i32
      %get3A = arith.index_cast %add3A_755 : i32 to index
      %get3A_756 = tpu.vector_load %arg6[%get3A] {strides = array<i32>} : memref<6400xi32, #tpu.memory_space<vmem>>, vector<16xi32>,
      %mul3A_757 = arith.constant 16 : i32
      %mul3A_758 = arith.muli %scan3A_751, %mul3A_757 : i32
      %add3A_759 = arith.constant 2400 : i32
      %add3A_760 = arith.addi %add3A_759, %mul3A_758 : i32
      %get3A_761 = arith.index_cast %add3A_760 : i32 to index
      %get3A_762 = tpu.vector_load %arg7[%get3A_761] {strides = array<i32>} : memref<6400xi32, #tpu.memory_space<vmem>>, vector<16xi32>,
      %add3A_763 = arith.constant 8192 : i32
      %add3A_764 = vector.broadcast %add3A_763 : i32 to vector<16xi32>
      %add3A_765 = arith.addi %get3A_756, %add3A_764 : vector<16xi32>
      %ge3A = arith.constant 1575244800 : i32
      %ge3A_766 = vector.broadcast %ge3A : i32 to vector<16xi32>
      %ge3A_767 = arith.cmpi sge, %get3A_762, %ge3A_766 : vector<16xi32>
      tpu.vector_store_idx %arg8[%add3A_765], %broadcast_in_dim3A_290 masked %ge3A_767 : memref<16384xi32, #tpu.memory_space<vmem>>[vector<16xi32>], vector<16xi32>, vector<16xi1>
    }
    %scan3A_315 = arith.constant 50 : i32
    %scan3A_316 = arith.constant 0 : i32
    %scan3A_317 = arith.constant 0 : i32
    %scan3A_318 = arith.constant 50 : i32
    %scan3A_319 = arith.addi %scan3A_317, %scan3A_318 : i32
    %scan3A_320 = arith.constant 1 : i32
    scf.for %scan3A_751 = %scan3A_317 to %scan3A_319 step %scan3A_320  : i32 {
      %mul3A_752 = arith.constant 16 : i32
      %mul3A_753 = arith.muli %scan3A_751, %mul3A_752 : i32
      %add3A_754 = arith.constant 2400 : i32
      %add3A_755 = arith.addi %add3A_754, %mul3A_753 : i32
      %get3A = arith.index_cast %add3A_755 : i32 to index
      %get3A_756 = tpu.vector_load %arg6[%get3A] {strides = array<i32>} : memref<6400xi32, #tpu.memory_space<vmem>>, vector<16xi32>,
      %mul3A_757 = arith.constant 16 : i32
      %mul3A_758 = arith.muli %scan3A_751, %mul3A_757 : i32
      %add3A_759 = arith.constant 2400 : i32
      %add3A_760 = arith.addi %add3A_759, %mul3A_758 : i32
      %get3A_761 = arith.index_cast %add3A_760 : i32 to index
      %get3A_762 = tpu.vector_load %arg7[%get3A_761] {strides = array<i32>} : memref<6400xi32, #tpu.memory_space<vmem>>, vector<16xi32>,
      %add3A_763 = arith.constant 8192 : i32
      %add3A_764 = vector.broadcast %add3A_763 : i32 to vector<16xi32>
      %add3A_765 = arith.addi %get3A_756, %add3A_764 : vector<16xi32>
      %ge3A = arith.constant 1577232000 : i32
      %ge3A_766 = vector.broadcast %ge3A : i32 to vector<16xi32>
      %ge3A_767 = arith.cmpi sge, %get3A_762, %ge3A_766 : vector<16xi32>
      tpu.vector_store_idx %arg8[%add3A_765], %broadcast_in_dim3A_293 masked %ge3A_767 : memref<16384xi32, #tpu.memory_space<vmem>>[vector<16xi32>], vector<16xi32>, vector<16xi1>
    }
    %scan3A_321 = arith.constant 50 : i32
    %broadcast_in_dim3A_322 = arith.constant 8192 : i32
    %broadcast_in_dim3A_323 = vector.broadcast %broadcast_in_dim3A_322 : i32 to vector<16xi32>
    %eq3A_324 = arith.constant 0 : i32
    %eq3A_325 = vector.broadcast %eq3A_324 : i32 to vector<16xi32>
    %eq3A_326 = arith.cmpi eq, %iota3A, %eq3A_325 : vector<16xi32>
    tpu.vector_store_idx %arg8[%broadcast_in_dim3A_323], %broadcast_in_dim3A_7 masked %eq3A_326 : memref<16384xi32, #tpu.memory_space<vmem>>[vector<16xi32>], vector<16xi32>, vector<16xi1>
    %reduce_min3A_327 = arith.constant true
    %reduce_min3A_328 = vector.broadcast %reduce_min3A_327 : i1 to vector<16xi1>
    %reduce_min3A_329 = arith.constant -2147483648 : i32
    %reduce_min3A_330 = vector.broadcast %reduce_min3A_329 : i32 to vector<16xi32>
    %reduce_min3A_331 = arith.xori %scan3A_302#0, %reduce_min3A_330 : vector<16xi32>
    %reduce_min3A_332 = tpu.scan <min>, %reduce_min3A_331 masked %reduce_min3A_328 : vector<16xi32>, vector<16xi1> -> vector<16xi32>
    %reduce_min3A_333 = arith.xori %reduce_min3A_332, %reduce_min3A_330 : vector<16xi32>
    %reduce_min3A_334 = vector.extract %reduce_min3A_333[15] : i32 from vector<16xi32>
    %reduce_max3A_335 = arith.constant true
    %reduce_max3A_336 = vector.broadcast %reduce_max3A_335 : i1 to vector<16xi1>
    %reduce_max3A_337 = arith.constant -2147483648 : i32
    %reduce_max3A_338 = vector.broadcast %reduce_max3A_337 : i32 to vector<16xi32>
    %reduce_max3A_339 = arith.xori %scan3A_302#1, %reduce_max3A_338 : vector<16xi32>
    %reduce_max3A_340 = tpu.scan <max>, %reduce_max3A_339 masked %reduce_max3A_336 : vector<16xi32>, vector<16xi1> -> vector<16xi32>
    %reduce_max3A_341 = arith.xori %reduce_max3A_340, %reduce_max3A_338 : vector<16xi32>
    %reduce_max3A_342 = vector.extract %reduce_max3A_341[15] : i32 from vector<16xi32>
    %eq3A_343 = arith.constant 0 : i32
    %eq3A_344 = vector.broadcast %eq3A_343 : i32 to vector<16xi32>
    %eq3A_345 = arith.cmpi eq, %iota3A, %eq3A_344 : vector<16xi32>
    %eq3A_346 = arith.constant 1 : i32
    %eq3A_347 = vector.broadcast %eq3A_346 : i32 to vector<16xi32>
    %eq3A_348 = arith.cmpi eq, %iota3A, %eq3A_347 : vector<16xi32>
    %jit3A_349 = arith.constant 0 : i32
    %broadcast_in_dim3A_350 = vector.broadcast %reduce_max3A_342 : i32 to vector<16xi32>
    %broadcast_in_dim3A_351 = vector.broadcast %jit3A_349 : i32 to vector<16xi32>
    %select_n3A_352 = arith.select %eq3A_348, %broadcast_in_dim3A_350, %broadcast_in_dim3A_351 : vector<16xi1>, vector<16xi32>
    %broadcast_in_dim3A_353 = vector.broadcast %reduce_min3A_334 : i32 to vector<16xi32>
    %select_n3A_354 = arith.select %eq3A_345, %broadcast_in_dim3A_353, %select_n3A_352 : vector<16xi1>, vector<16xi32>
    %swap3A_355 = arith.constant 48 : index
    %swap3A_356 = tpu.vector_load %arg9[%swap3A_355] {strides = array<i32>} : memref<128xi32, #tpu.memory_space<vmem>>, vector<16xi32>,
    tpu.vector_store %arg9[%swap3A_355], %select_n3A_354 {strides = array<i32>} : memref<128xi32, #tpu.memory_space<vmem>>, vector<16xi32>,
    %mul3A_357 = arith.constant 8192 : i32
    %mul3A_358 = arith.muli %add3A_279, %mul3A_357 : i32
    %dma_start3A_359 = arith.constant 8192 : i32
    %dma_start3A_360 = tpu.memref_slice %arg8[%dma_start3A_359] : memref<16384xi32, #tpu.memory_space<vmem>> -> memref<8192xi32, #tpu.memory_space<vmem>>
    %dma_start3A_361 = tpu.memref_slice %arg4[%mul3A_358] : memref<2097152xi32, #tpu.memory_space<hbm>> -> memref<8192xi32, #tpu.memory_space<hbm>>
    %dma_start3A_362 = tpu.memref_slice %arg4[%mul3A_358] : memref<2097152xi32, #tpu.memory_space<hbm>> -> memref<8192xi32, #tpu.memory_space<hbm>>
    %dma_start3A_363 = arith.constant 8192 : i32
    %dma_start3A_364 = tpu.memref_slice %arg8[%dma_start3A_363] : memref<16384xi32, #tpu.memory_space<vmem>> -> memref<8192xi32, #tpu.memory_space<vmem>>
    tpu.enqueue_dma source(%dma_start3A_364 : memref<8192xi32, #tpu.memory_space<vmem>>) target(%dma_start3A_362 : memref<8192xi32, #tpu.memory_space<hbm>>) target_semaphore(%arg11 : memref<!tpu.dma_semaphore, #tpu.memory_space<semaphore_mem>>)
    %dma_wait3A_365 = arith.constant 0 : i32
    %dma_wait3A_366 = tpu.memref_slice %arg8[%dma_wait3A_365] : memref<16384xi32, #tpu.memory_space<vmem>> -> memref<8192xi32, #tpu.memory_space<vmem>>
    %dma_wait3A_367 = tpu.memref_slice %arg4[%mul3A_265] : memref<2097152xi32, #tpu.memory_space<hbm>> -> memref<8192xi32, #tpu.memory_space<hbm>>
    %dma_wait3A_368 = tpu.memref_slice %arg4[%mul3A_265] : memref<2097152xi32, #tpu.memory_space<hbm>> -> memref<8192xi32, #tpu.memory_space<hbm>>
    %dma_wait3A_369 = arith.constant 0 : i32
    %dma_wait3A_370 = tpu.memref_slice %arg8[%dma_wait3A_369] : memref<16384xi32, #tpu.memory_space<vmem>> -> memref<8192xi32, #tpu.memory_space<vmem>>
    tpu.wait_dma2 semaphore(%arg10 : memref<!tpu.dma_semaphore, #tpu.memory_space<semaphore_mem>>) src(%dma_wait3A_370 : memref<8192xi32, #tpu.memory_space<vmem>>) dst(%dma_wait3A_368 : memref<8192xi32, #tpu.memory_space<hbm>>)
    %add3A_371 = arith.constant 4 : i32
    %add3A_372 = arith.addi %mul3A_2, %add3A_371 : i32
    %mul3A_373 = arith.constant 8 : i32
    %mul3A_374 = arith.muli %add3A_372, %mul3A_373 : i32
    %add3A_375 = arith.constant 1 : i32
    %add3A_376 = arith.addi %mul3A_374, %add3A_375 : i32
    %broadcast_in_dim3A_377 = vector.broadcast %add3A_376 : i32 to vector<16xi32>
    %add3A_378 = arith.constant 2 : i32
    %add3A_379 = arith.addi %mul3A_374, %add3A_378 : i32
    %broadcast_in_dim3A_380 = vector.broadcast %add3A_379 : i32 to vector<16xi32>
    %add3A_381 = arith.constant 3 : i32
    %add3A_382 = arith.addi %mul3A_374, %add3A_381 : i32
    %broadcast_in_dim3A_383 = vector.broadcast %add3A_382 : i32 to vector<16xi32>
    %add3A_384 = arith.constant 4 : i32
    %add3A_385 = arith.addi %mul3A_374, %add3A_384 : i32
    %broadcast_in_dim3A_386 = vector.broadcast %add3A_385 : i32 to vector<16xi32>
    %broadcast_in_dim3A_387 = arith.constant 2147483647 : i32
    %broadcast_in_dim3A_388 = vector.broadcast %broadcast_in_dim3A_387 : i32 to vector<16xi32>
    %broadcast_in_dim3A_389 = arith.constant -2147483648 : i32
    %broadcast_in_dim3A_390 = vector.broadcast %broadcast_in_dim3A_389 : i32 to vector<16xi32>
    %scan3A_391 = arith.constant 0 : i32
    %scan3A_392 = arith.constant 50 : i32
    %scan3A_393 = arith.addi %scan3A_391, %scan3A_392 : i32
    %scan3A_394 = arith.constant 1 : i32
    %scan3A_395:2 = scf.for %scan3A_751 = %scan3A_391 to %scan3A_393 step %scan3A_394 iter_args(%scan3A_752 = %broadcast_in_dim3A_388, %scan3A_753 = %broadcast_in_dim3A_390) -> (vector<16xi32>, vector<16xi32>)  : i32 {
      %mul3A_754 = arith.constant 16 : i32
      %mul3A_755 = arith.muli %scan3A_751, %mul3A_754 : i32
      %add3A_756 = arith.constant 3200 : i32
      %add3A_757 = arith.addi %add3A_756, %mul3A_755 : i32
      %get3A = arith.index_cast %add3A_757 : i32 to index
      %get3A_758 = tpu.vector_load %arg6[%get3A] {strides = array<i32>} : memref<6400xi32, #tpu.memory_space<vmem>>, vector<16xi32>,
      %mul3A_759 = arith.constant 16 : i32
      %mul3A_760 = arith.muli %scan3A_751, %mul3A_759 : i32
      %add3A_761 = arith.constant 3200 : i32
      %add3A_762 = arith.addi %add3A_761, %mul3A_760 : i32
      %get3A_763 = arith.index_cast %add3A_762 : i32 to index
      %get3A_764 = tpu.vector_load %arg7[%get3A_763] {strides = array<i32>} : memref<6400xi32, #tpu.memory_space<vmem>>, vector<16xi32>,
      %add3A_765 = arith.constant 0 : i32
      %add3A_766 = vector.broadcast %add3A_765 : i32 to vector<16xi32>
      %add3A_767 = arith.addi %get3A_758, %add3A_766 : vector<16xi32>
      %ge3A = arith.constant 1546300800 : i32
      %ge3A_768 = vector.broadcast %ge3A : i32 to vector<16xi32>
      %ge3A_769 = arith.cmpi sge, %get3A_764, %ge3A_768 : vector<16xi32>
      tpu.vector_store_idx %arg8[%add3A_767], %broadcast_in_dim3A_377 masked %ge3A_769 : memref<16384xi32, #tpu.memory_space<vmem>>[vector<16xi32>], vector<16xi32>, vector<16xi1>
      %min3A = arith.minsi %scan3A_752, %get3A_764 : vector<16xi32>
      %eq3A_770 = arith.constant 0 : i32
      %eq3A_771 = vector.broadcast %eq3A_770 : i32 to vector<16xi32>
      %eq3A_772 = arith.cmpi eq, %get3A_758, %eq3A_771 : vector<16xi32>
      %jit3A_773 = arith.constant -2147483648 : i32
      %broadcast_in_dim3A_774 = vector.broadcast %jit3A_773 : i32 to vector<16xi32>
      %select_n3A_775 = arith.select %eq3A_772, %get3A_764, %broadcast_in_dim3A_774 : vector<16xi1>, vector<16xi32>
      %max3A = arith.maxsi %scan3A_753, %select_n3A_775 : vector<16xi32>
      scf.yield %min3A, %max3A : vector<16xi32>, vector<16xi32>
    }
    %scan3A_396 = arith.constant 50 : i32
    %scan3A_397 = arith.constant 0 : i32
    %scan3A_398 = arith.constant 0 : i32
    %scan3A_399 = arith.constant 50 : i32
    %scan3A_400 = arith.addi %scan3A_398, %scan3A_399 : i32
    %scan3A_401 = arith.constant 1 : i32
    scf.for %scan3A_751 = %scan3A_398 to %scan3A_400 step %scan3A_401  : i32 {
      %mul3A_752 = arith.constant 16 : i32
      %mul3A_753 = arith.muli %scan3A_751, %mul3A_752 : i32
      %add3A_754 = arith.constant 3200 : i32
      %add3A_755 = arith.addi %add3A_754, %mul3A_753 : i32
      %get3A = arith.index_cast %add3A_755 : i32 to index
      %get3A_756 = tpu.vector_load %arg6[%get3A] {strides = array<i32>} : memref<6400xi32, #tpu.memory_space<vmem>>, vector<16xi32>,
      %mul3A_757 = arith.constant 16 : i32
      %mul3A_758 = arith.muli %scan3A_751, %mul3A_757 : i32
      %add3A_759 = arith.constant 3200 : i32
      %add3A_760 = arith.addi %add3A_759, %mul3A_758 : i32
      %get3A_761 = arith.index_cast %add3A_760 : i32 to index
      %get3A_762 = tpu.vector_load %arg7[%get3A_761] {strides = array<i32>} : memref<6400xi32, #tpu.memory_space<vmem>>, vector<16xi32>,
      %add3A_763 = arith.constant 0 : i32
      %add3A_764 = vector.broadcast %add3A_763 : i32 to vector<16xi32>
      %add3A_765 = arith.addi %get3A_756, %add3A_764 : vector<16xi32>
      %ge3A = arith.constant 1570060800 : i32
      %ge3A_766 = vector.broadcast %ge3A : i32 to vector<16xi32>
      %ge3A_767 = arith.cmpi sge, %get3A_762, %ge3A_766 : vector<16xi32>
      tpu.vector_store_idx %arg8[%add3A_765], %broadcast_in_dim3A_380 masked %ge3A_767 : memref<16384xi32, #tpu.memory_space<vmem>>[vector<16xi32>], vector<16xi32>, vector<16xi1>
    }
    %scan3A_402 = arith.constant 50 : i32
    %scan3A_403 = arith.constant 0 : i32
    %scan3A_404 = arith.constant 0 : i32
    %scan3A_405 = arith.constant 50 : i32
    %scan3A_406 = arith.addi %scan3A_404, %scan3A_405 : i32
    %scan3A_407 = arith.constant 1 : i32
    scf.for %scan3A_751 = %scan3A_404 to %scan3A_406 step %scan3A_407  : i32 {
      %mul3A_752 = arith.constant 16 : i32
      %mul3A_753 = arith.muli %scan3A_751, %mul3A_752 : i32
      %add3A_754 = arith.constant 3200 : i32
      %add3A_755 = arith.addi %add3A_754, %mul3A_753 : i32
      %get3A = arith.index_cast %add3A_755 : i32 to index
      %get3A_756 = tpu.vector_load %arg6[%get3A] {strides = array<i32>} : memref<6400xi32, #tpu.memory_space<vmem>>, vector<16xi32>,
      %mul3A_757 = arith.constant 16 : i32
      %mul3A_758 = arith.muli %scan3A_751, %mul3A_757 : i32
      %add3A_759 = arith.constant 3200 : i32
      %add3A_760 = arith.addi %add3A_759, %mul3A_758 : i32
      %get3A_761 = arith.index_cast %add3A_760 : i32 to index
      %get3A_762 = tpu.vector_load %arg7[%get3A_761] {strides = array<i32>} : memref<6400xi32, #tpu.memory_space<vmem>>, vector<16xi32>,
      %add3A_763 = arith.constant 0 : i32
      %add3A_764 = vector.broadcast %add3A_763 : i32 to vector<16xi32>
      %add3A_765 = arith.addi %get3A_756, %add3A_764 : vector<16xi32>
      %ge3A = arith.constant 1575244800 : i32
      %ge3A_766 = vector.broadcast %ge3A : i32 to vector<16xi32>
      %ge3A_767 = arith.cmpi sge, %get3A_762, %ge3A_766 : vector<16xi32>
      tpu.vector_store_idx %arg8[%add3A_765], %broadcast_in_dim3A_383 masked %ge3A_767 : memref<16384xi32, #tpu.memory_space<vmem>>[vector<16xi32>], vector<16xi32>, vector<16xi1>
    }
    %scan3A_408 = arith.constant 50 : i32
    %scan3A_409 = arith.constant 0 : i32
    %scan3A_410 = arith.constant 0 : i32
    %scan3A_411 = arith.constant 50 : i32
    %scan3A_412 = arith.addi %scan3A_410, %scan3A_411 : i32
    %scan3A_413 = arith.constant 1 : i32
    scf.for %scan3A_751 = %scan3A_410 to %scan3A_412 step %scan3A_413  : i32 {
      %mul3A_752 = arith.constant 16 : i32
      %mul3A_753 = arith.muli %scan3A_751, %mul3A_752 : i32
      %add3A_754 = arith.constant 3200 : i32
      %add3A_755 = arith.addi %add3A_754, %mul3A_753 : i32
      %get3A = arith.index_cast %add3A_755 : i32 to index
      %get3A_756 = tpu.vector_load %arg6[%get3A] {strides = array<i32>} : memref<6400xi32, #tpu.memory_space<vmem>>, vector<16xi32>,
      %mul3A_757 = arith.constant 16 : i32
      %mul3A_758 = arith.muli %scan3A_751, %mul3A_757 : i32
      %add3A_759 = arith.constant 3200 : i32
      %add3A_760 = arith.addi %add3A_759, %mul3A_758 : i32
      %get3A_761 = arith.index_cast %add3A_760 : i32 to index
      %get3A_762 = tpu.vector_load %arg7[%get3A_761] {strides = array<i32>} : memref<6400xi32, #tpu.memory_space<vmem>>, vector<16xi32>,
      %add3A_763 = arith.constant 0 : i32
      %add3A_764 = vector.broadcast %add3A_763 : i32 to vector<16xi32>
      %add3A_765 = arith.addi %get3A_756, %add3A_764 : vector<16xi32>
      %ge3A = arith.constant 1577232000 : i32
      %ge3A_766 = vector.broadcast %ge3A : i32 to vector<16xi32>
      %ge3A_767 = arith.cmpi sge, %get3A_762, %ge3A_766 : vector<16xi32>
      tpu.vector_store_idx %arg8[%add3A_765], %broadcast_in_dim3A_386 masked %ge3A_767 : memref<16384xi32, #tpu.memory_space<vmem>>[vector<16xi32>], vector<16xi32>, vector<16xi1>
    }
    %scan3A_414 = arith.constant 50 : i32
    %broadcast_in_dim3A_415 = arith.constant 0 : i32
    %broadcast_in_dim3A_416 = vector.broadcast %broadcast_in_dim3A_415 : i32 to vector<16xi32>
    %eq3A_417 = arith.constant 0 : i32
    %eq3A_418 = vector.broadcast %eq3A_417 : i32 to vector<16xi32>
    %eq3A_419 = arith.cmpi eq, %iota3A, %eq3A_418 : vector<16xi32>
    tpu.vector_store_idx %arg8[%broadcast_in_dim3A_416], %broadcast_in_dim3A_7 masked %eq3A_419 : memref<16384xi32, #tpu.memory_space<vmem>>[vector<16xi32>], vector<16xi32>, vector<16xi1>
    %reduce_min3A_420 = arith.constant true
    %reduce_min3A_421 = vector.broadcast %reduce_min3A_420 : i1 to vector<16xi1>
    %reduce_min3A_422 = arith.constant -2147483648 : i32
    %reduce_min3A_423 = vector.broadcast %reduce_min3A_422 : i32 to vector<16xi32>
    %reduce_min3A_424 = arith.xori %scan3A_395#0, %reduce_min3A_423 : vector<16xi32>
    %reduce_min3A_425 = tpu.scan <min>, %reduce_min3A_424 masked %reduce_min3A_421 : vector<16xi32>, vector<16xi1> -> vector<16xi32>
    %reduce_min3A_426 = arith.xori %reduce_min3A_425, %reduce_min3A_423 : vector<16xi32>
    %reduce_min3A_427 = vector.extract %reduce_min3A_426[15] : i32 from vector<16xi32>
    %reduce_max3A_428 = arith.constant true
    %reduce_max3A_429 = vector.broadcast %reduce_max3A_428 : i1 to vector<16xi1>
    %reduce_max3A_430 = arith.constant -2147483648 : i32
    %reduce_max3A_431 = vector.broadcast %reduce_max3A_430 : i32 to vector<16xi32>
    %reduce_max3A_432 = arith.xori %scan3A_395#1, %reduce_max3A_431 : vector<16xi32>
    %reduce_max3A_433 = tpu.scan <max>, %reduce_max3A_432 masked %reduce_max3A_429 : vector<16xi32>, vector<16xi1> -> vector<16xi32>
    %reduce_max3A_434 = arith.xori %reduce_max3A_433, %reduce_max3A_431 : vector<16xi32>
    %reduce_max3A_435 = vector.extract %reduce_max3A_434[15] : i32 from vector<16xi32>
    %eq3A_436 = arith.constant 0 : i32
    %eq3A_437 = vector.broadcast %eq3A_436 : i32 to vector<16xi32>
    %eq3A_438 = arith.cmpi eq, %iota3A, %eq3A_437 : vector<16xi32>
    %eq3A_439 = arith.constant 1 : i32
    %eq3A_440 = vector.broadcast %eq3A_439 : i32 to vector<16xi32>
    %eq3A_441 = arith.cmpi eq, %iota3A, %eq3A_440 : vector<16xi32>
    %jit3A_442 = arith.constant 0 : i32
    %broadcast_in_dim3A_443 = vector.broadcast %reduce_max3A_435 : i32 to vector<16xi32>
    %broadcast_in_dim3A_444 = vector.broadcast %jit3A_442 : i32 to vector<16xi32>
    %select_n3A_445 = arith.select %eq3A_441, %broadcast_in_dim3A_443, %broadcast_in_dim3A_444 : vector<16xi1>, vector<16xi32>
    %broadcast_in_dim3A_446 = vector.broadcast %reduce_min3A_427 : i32 to vector<16xi32>
    %select_n3A_447 = arith.select %eq3A_438, %broadcast_in_dim3A_446, %select_n3A_445 : vector<16xi1>, vector<16xi32>
    %swap3A_448 = arith.constant 64 : index
    %swap3A_449 = tpu.vector_load %arg9[%swap3A_448] {strides = array<i32>} : memref<128xi32, #tpu.memory_space<vmem>>, vector<16xi32>,
    tpu.vector_store %arg9[%swap3A_448], %select_n3A_447 {strides = array<i32>} : memref<128xi32, #tpu.memory_space<vmem>>, vector<16xi32>,
    %mul3A_450 = arith.constant 8192 : i32
    %mul3A_451 = arith.muli %add3A_372, %mul3A_450 : i32
    %dma_start3A_452 = arith.constant 0 : i32
    %dma_start3A_453 = tpu.memref_slice %arg8[%dma_start3A_452] : memref<16384xi32, #tpu.memory_space<vmem>> -> memref<8192xi32, #tpu.memory_space<vmem>>
    %dma_start3A_454 = tpu.memref_slice %arg4[%mul3A_451] : memref<2097152xi32, #tpu.memory_space<hbm>> -> memref<8192xi32, #tpu.memory_space<hbm>>
    %dma_start3A_455 = tpu.memref_slice %arg4[%mul3A_451] : memref<2097152xi32, #tpu.memory_space<hbm>> -> memref<8192xi32, #tpu.memory_space<hbm>>
    %dma_start3A_456 = arith.constant 0 : i32
    %dma_start3A_457 = tpu.memref_slice %arg8[%dma_start3A_456] : memref<16384xi32, #tpu.memory_space<vmem>> -> memref<8192xi32, #tpu.memory_space<vmem>>
    tpu.enqueue_dma source(%dma_start3A_457 : memref<8192xi32, #tpu.memory_space<vmem>>) target(%dma_start3A_455 : memref<8192xi32, #tpu.memory_space<hbm>>) target_semaphore(%arg10 : memref<!tpu.dma_semaphore, #tpu.memory_space<semaphore_mem>>)
    %dma_wait3A_458 = arith.constant 8192 : i32
    %dma_wait3A_459 = tpu.memref_slice %arg8[%dma_wait3A_458] : memref<16384xi32, #tpu.memory_space<vmem>> -> memref<8192xi32, #tpu.memory_space<vmem>>
    %dma_wait3A_460 = tpu.memref_slice %arg4[%mul3A_358] : memref<2097152xi32, #tpu.memory_space<hbm>> -> memref<8192xi32, #tpu.memory_space<hbm>>
    %dma_wait3A_461 = tpu.memref_slice %arg4[%mul3A_358] : memref<2097152xi32, #tpu.memory_space<hbm>> -> memref<8192xi32, #tpu.memory_space<hbm>>
    %dma_wait3A_462 = arith.constant 8192 : i32
    %dma_wait3A_463 = tpu.memref_slice %arg8[%dma_wait3A_462] : memref<16384xi32, #tpu.memory_space<vmem>> -> memref<8192xi32, #tpu.memory_space<vmem>>
    tpu.wait_dma2 semaphore(%arg11 : memref<!tpu.dma_semaphore, #tpu.memory_space<semaphore_mem>>) src(%dma_wait3A_463 : memref<8192xi32, #tpu.memory_space<vmem>>) dst(%dma_wait3A_461 : memref<8192xi32, #tpu.memory_space<hbm>>)
    %add3A_464 = arith.constant 5 : i32
    %add3A_465 = arith.addi %mul3A_2, %add3A_464 : i32
    %mul3A_466 = arith.constant 8 : i32
    %mul3A_467 = arith.muli %add3A_465, %mul3A_466 : i32
    %add3A_468 = arith.constant 1 : i32
    %add3A_469 = arith.addi %mul3A_467, %add3A_468 : i32
    %broadcast_in_dim3A_470 = vector.broadcast %add3A_469 : i32 to vector<16xi32>
    %add3A_471 = arith.constant 2 : i32
    %add3A_472 = arith.addi %mul3A_467, %add3A_471 : i32
    %broadcast_in_dim3A_473 = vector.broadcast %add3A_472 : i32 to vector<16xi32>
    %add3A_474 = arith.constant 3 : i32
    %add3A_475 = arith.addi %mul3A_467, %add3A_474 : i32
    %broadcast_in_dim3A_476 = vector.broadcast %add3A_475 : i32 to vector<16xi32>
    %add3A_477 = arith.constant 4 : i32
    %add3A_478 = arith.addi %mul3A_467, %add3A_477 : i32
    %broadcast_in_dim3A_479 = vector.broadcast %add3A_478 : i32 to vector<16xi32>
    %broadcast_in_dim3A_480 = arith.constant 2147483647 : i32
    %broadcast_in_dim3A_481 = vector.broadcast %broadcast_in_dim3A_480 : i32 to vector<16xi32>
    %broadcast_in_dim3A_482 = arith.constant -2147483648 : i32
    %broadcast_in_dim3A_483 = vector.broadcast %broadcast_in_dim3A_482 : i32 to vector<16xi32>
    %scan3A_484 = arith.constant 0 : i32
    %scan3A_485 = arith.constant 50 : i32
    %scan3A_486 = arith.addi %scan3A_484, %scan3A_485 : i32
    %scan3A_487 = arith.constant 1 : i32
    %scan3A_488:2 = scf.for %scan3A_751 = %scan3A_484 to %scan3A_486 step %scan3A_487 iter_args(%scan3A_752 = %broadcast_in_dim3A_481, %scan3A_753 = %broadcast_in_dim3A_483) -> (vector<16xi32>, vector<16xi32>)  : i32 {
      %mul3A_754 = arith.constant 16 : i32
      %mul3A_755 = arith.muli %scan3A_751, %mul3A_754 : i32
      %add3A_756 = arith.constant 4000 : i32
      %add3A_757 = arith.addi %add3A_756, %mul3A_755 : i32
      %get3A = arith.index_cast %add3A_757 : i32 to index
      %get3A_758 = tpu.vector_load %arg6[%get3A] {strides = array<i32>} : memref<6400xi32, #tpu.memory_space<vmem>>, vector<16xi32>,
      %mul3A_759 = arith.constant 16 : i32
      %mul3A_760 = arith.muli %scan3A_751, %mul3A_759 : i32
      %add3A_761 = arith.constant 4000 : i32
      %add3A_762 = arith.addi %add3A_761, %mul3A_760 : i32
      %get3A_763 = arith.index_cast %add3A_762 : i32 to index
      %get3A_764 = tpu.vector_load %arg7[%get3A_763] {strides = array<i32>} : memref<6400xi32, #tpu.memory_space<vmem>>, vector<16xi32>,
      %add3A_765 = arith.constant 8192 : i32
      %add3A_766 = vector.broadcast %add3A_765 : i32 to vector<16xi32>
      %add3A_767 = arith.addi %get3A_758, %add3A_766 : vector<16xi32>
      %ge3A = arith.constant 1546300800 : i32
      %ge3A_768 = vector.broadcast %ge3A : i32 to vector<16xi32>
      %ge3A_769 = arith.cmpi sge, %get3A_764, %ge3A_768 : vector<16xi32>
      tpu.vector_store_idx %arg8[%add3A_767], %broadcast_in_dim3A_470 masked %ge3A_769 : memref<16384xi32, #tpu.memory_space<vmem>>[vector<16xi32>], vector<16xi32>, vector<16xi1>
      %min3A = arith.minsi %scan3A_752, %get3A_764 : vector<16xi32>
      %eq3A_770 = arith.constant 0 : i32
      %eq3A_771 = vector.broadcast %eq3A_770 : i32 to vector<16xi32>
      %eq3A_772 = arith.cmpi eq, %get3A_758, %eq3A_771 : vector<16xi32>
      %jit3A_773 = arith.constant -2147483648 : i32
      %broadcast_in_dim3A_774 = vector.broadcast %jit3A_773 : i32 to vector<16xi32>
      %select_n3A_775 = arith.select %eq3A_772, %get3A_764, %broadcast_in_dim3A_774 : vector<16xi1>, vector<16xi32>
      %max3A = arith.maxsi %scan3A_753, %select_n3A_775 : vector<16xi32>
      scf.yield %min3A, %max3A : vector<16xi32>, vector<16xi32>
    }
    %scan3A_489 = arith.constant 50 : i32
    %scan3A_490 = arith.constant 0 : i32
    %scan3A_491 = arith.constant 0 : i32
    %scan3A_492 = arith.constant 50 : i32
    %scan3A_493 = arith.addi %scan3A_491, %scan3A_492 : i32
    %scan3A_494 = arith.constant 1 : i32
    scf.for %scan3A_751 = %scan3A_491 to %scan3A_493 step %scan3A_494  : i32 {
      %mul3A_752 = arith.constant 16 : i32
      %mul3A_753 = arith.muli %scan3A_751, %mul3A_752 : i32
      %add3A_754 = arith.constant 4000 : i32
      %add3A_755 = arith.addi %add3A_754, %mul3A_753 : i32
      %get3A = arith.index_cast %add3A_755 : i32 to index
      %get3A_756 = tpu.vector_load %arg6[%get3A] {strides = array<i32>} : memref<6400xi32, #tpu.memory_space<vmem>>, vector<16xi32>,
      %mul3A_757 = arith.constant 16 : i32
      %mul3A_758 = arith.muli %scan3A_751, %mul3A_757 : i32
      %add3A_759 = arith.constant 4000 : i32
      %add3A_760 = arith.addi %add3A_759, %mul3A_758 : i32
      %get3A_761 = arith.index_cast %add3A_760 : i32 to index
      %get3A_762 = tpu.vector_load %arg7[%get3A_761] {strides = array<i32>} : memref<6400xi32, #tpu.memory_space<vmem>>, vector<16xi32>,
      %add3A_763 = arith.constant 8192 : i32
      %add3A_764 = vector.broadcast %add3A_763 : i32 to vector<16xi32>
      %add3A_765 = arith.addi %get3A_756, %add3A_764 : vector<16xi32>
      %ge3A = arith.constant 1570060800 : i32
      %ge3A_766 = vector.broadcast %ge3A : i32 to vector<16xi32>
      %ge3A_767 = arith.cmpi sge, %get3A_762, %ge3A_766 : vector<16xi32>
      tpu.vector_store_idx %arg8[%add3A_765], %broadcast_in_dim3A_473 masked %ge3A_767 : memref<16384xi32, #tpu.memory_space<vmem>>[vector<16xi32>], vector<16xi32>, vector<16xi1>
    }
    %scan3A_495 = arith.constant 50 : i32
    %scan3A_496 = arith.constant 0 : i32
    %scan3A_497 = arith.constant 0 : i32
    %scan3A_498 = arith.constant 50 : i32
    %scan3A_499 = arith.addi %scan3A_497, %scan3A_498 : i32
    %scan3A_500 = arith.constant 1 : i32
    scf.for %scan3A_751 = %scan3A_497 to %scan3A_499 step %scan3A_500  : i32 {
      %mul3A_752 = arith.constant 16 : i32
      %mul3A_753 = arith.muli %scan3A_751, %mul3A_752 : i32
      %add3A_754 = arith.constant 4000 : i32
      %add3A_755 = arith.addi %add3A_754, %mul3A_753 : i32
      %get3A = arith.index_cast %add3A_755 : i32 to index
      %get3A_756 = tpu.vector_load %arg6[%get3A] {strides = array<i32>} : memref<6400xi32, #tpu.memory_space<vmem>>, vector<16xi32>,
      %mul3A_757 = arith.constant 16 : i32
      %mul3A_758 = arith.muli %scan3A_751, %mul3A_757 : i32
      %add3A_759 = arith.constant 4000 : i32
      %add3A_760 = arith.addi %add3A_759, %mul3A_758 : i32
      %get3A_761 = arith.index_cast %add3A_760 : i32 to index
      %get3A_762 = tpu.vector_load %arg7[%get3A_761] {strides = array<i32>} : memref<6400xi32, #tpu.memory_space<vmem>>, vector<16xi32>,
      %add3A_763 = arith.constant 8192 : i32
      %add3A_764 = vector.broadcast %add3A_763 : i32 to vector<16xi32>
      %add3A_765 = arith.addi %get3A_756, %add3A_764 : vector<16xi32>
      %ge3A = arith.constant 1575244800 : i32
      %ge3A_766 = vector.broadcast %ge3A : i32 to vector<16xi32>
      %ge3A_767 = arith.cmpi sge, %get3A_762, %ge3A_766 : vector<16xi32>
      tpu.vector_store_idx %arg8[%add3A_765], %broadcast_in_dim3A_476 masked %ge3A_767 : memref<16384xi32, #tpu.memory_space<vmem>>[vector<16xi32>], vector<16xi32>, vector<16xi1>
    }
    %scan3A_501 = arith.constant 50 : i32
    %scan3A_502 = arith.constant 0 : i32
    %scan3A_503 = arith.constant 0 : i32
    %scan3A_504 = arith.constant 50 : i32
    %scan3A_505 = arith.addi %scan3A_503, %scan3A_504 : i32
    %scan3A_506 = arith.constant 1 : i32
    scf.for %scan3A_751 = %scan3A_503 to %scan3A_505 step %scan3A_506  : i32 {
      %mul3A_752 = arith.constant 16 : i32
      %mul3A_753 = arith.muli %scan3A_751, %mul3A_752 : i32
      %add3A_754 = arith.constant 4000 : i32
      %add3A_755 = arith.addi %add3A_754, %mul3A_753 : i32
      %get3A = arith.index_cast %add3A_755 : i32 to index
      %get3A_756 = tpu.vector_load %arg6[%get3A] {strides = array<i32>} : memref<6400xi32, #tpu.memory_space<vmem>>, vector<16xi32>,
      %mul3A_757 = arith.constant 16 : i32
      %mul3A_758 = arith.muli %scan3A_751, %mul3A_757 : i32
      %add3A_759 = arith.constant 4000 : i32
      %add3A_760 = arith.addi %add3A_759, %mul3A_758 : i32
      %get3A_761 = arith.index_cast %add3A_760 : i32 to index
      %get3A_762 = tpu.vector_load %arg7[%get3A_761] {strides = array<i32>} : memref<6400xi32, #tpu.memory_space<vmem>>, vector<16xi32>,
      %add3A_763 = arith.constant 8192 : i32
      %add3A_764 = vector.broadcast %add3A_763 : i32 to vector<16xi32>
      %add3A_765 = arith.addi %get3A_756, %add3A_764 : vector<16xi32>
      %ge3A = arith.constant 1577232000 : i32
      %ge3A_766 = vector.broadcast %ge3A : i32 to vector<16xi32>
      %ge3A_767 = arith.cmpi sge, %get3A_762, %ge3A_766 : vector<16xi32>
      tpu.vector_store_idx %arg8[%add3A_765], %broadcast_in_dim3A_479 masked %ge3A_767 : memref<16384xi32, #tpu.memory_space<vmem>>[vector<16xi32>], vector<16xi32>, vector<16xi1>
    }
    %scan3A_507 = arith.constant 50 : i32
    %broadcast_in_dim3A_508 = arith.constant 8192 : i32
    %broadcast_in_dim3A_509 = vector.broadcast %broadcast_in_dim3A_508 : i32 to vector<16xi32>
    %eq3A_510 = arith.constant 0 : i32
    %eq3A_511 = vector.broadcast %eq3A_510 : i32 to vector<16xi32>
    %eq3A_512 = arith.cmpi eq, %iota3A, %eq3A_511 : vector<16xi32>
    tpu.vector_store_idx %arg8[%broadcast_in_dim3A_509], %broadcast_in_dim3A_7 masked %eq3A_512 : memref<16384xi32, #tpu.memory_space<vmem>>[vector<16xi32>], vector<16xi32>, vector<16xi1>
    %reduce_min3A_513 = arith.constant true
    %reduce_min3A_514 = vector.broadcast %reduce_min3A_513 : i1 to vector<16xi1>
    %reduce_min3A_515 = arith.constant -2147483648 : i32
    %reduce_min3A_516 = vector.broadcast %reduce_min3A_515 : i32 to vector<16xi32>
    %reduce_min3A_517 = arith.xori %scan3A_488#0, %reduce_min3A_516 : vector<16xi32>
    %reduce_min3A_518 = tpu.scan <min>, %reduce_min3A_517 masked %reduce_min3A_514 : vector<16xi32>, vector<16xi1> -> vector<16xi32>
    %reduce_min3A_519 = arith.xori %reduce_min3A_518, %reduce_min3A_516 : vector<16xi32>
    %reduce_min3A_520 = vector.extract %reduce_min3A_519[15] : i32 from vector<16xi32>
    %reduce_max3A_521 = arith.constant true
    %reduce_max3A_522 = vector.broadcast %reduce_max3A_521 : i1 to vector<16xi1>
    %reduce_max3A_523 = arith.constant -2147483648 : i32
    %reduce_max3A_524 = vector.broadcast %reduce_max3A_523 : i32 to vector<16xi32>
    %reduce_max3A_525 = arith.xori %scan3A_488#1, %reduce_max3A_524 : vector<16xi32>
    %reduce_max3A_526 = tpu.scan <max>, %reduce_max3A_525 masked %reduce_max3A_522 : vector<16xi32>, vector<16xi1> -> vector<16xi32>
    %reduce_max3A_527 = arith.xori %reduce_max3A_526, %reduce_max3A_524 : vector<16xi32>
    %reduce_max3A_528 = vector.extract %reduce_max3A_527[15] : i32 from vector<16xi32>
    %eq3A_529 = arith.constant 0 : i32
    %eq3A_530 = vector.broadcast %eq3A_529 : i32 to vector<16xi32>
    %eq3A_531 = arith.cmpi eq, %iota3A, %eq3A_530 : vector<16xi32>
    %eq3A_532 = arith.constant 1 : i32
    %eq3A_533 = vector.broadcast %eq3A_532 : i32 to vector<16xi32>
    %eq3A_534 = arith.cmpi eq, %iota3A, %eq3A_533 : vector<16xi32>
    %jit3A_535 = arith.constant 0 : i32
    %broadcast_in_dim3A_536 = vector.broadcast %reduce_max3A_528 : i32 to vector<16xi32>
    %broadcast_in_dim3A_537 = vector.broadcast %jit3A_535 : i32 to vector<16xi32>
    %select_n3A_538 = arith.select %eq3A_534, %broadcast_in_dim3A_536, %broadcast_in_dim3A_537 : vector<16xi1>, vector<16xi32>
    %broadcast_in_dim3A_539 = vector.broadcast %reduce_min3A_520 : i32 to vector<16xi32>
    %select_n3A_540 = arith.select %eq3A_531, %broadcast_in_dim3A_539, %select_n3A_538 : vector<16xi1>, vector<16xi32>
    %swap3A_541 = arith.constant 80 : index
    %swap3A_542 = tpu.vector_load %arg9[%swap3A_541] {strides = array<i32>} : memref<128xi32, #tpu.memory_space<vmem>>, vector<16xi32>,
    tpu.vector_store %arg9[%swap3A_541], %select_n3A_540 {strides = array<i32>} : memref<128xi32, #tpu.memory_space<vmem>>, vector<16xi32>,
    %mul3A_543 = arith.constant 8192 : i32
    %mul3A_544 = arith.muli %add3A_465, %mul3A_543 : i32
    %dma_start3A_545 = arith.constant 8192 : i32
    %dma_start3A_546 = tpu.memref_slice %arg8[%dma_start3A_545] : memref<16384xi32, #tpu.memory_space<vmem>> -> memref<8192xi32, #tpu.memory_space<vmem>>
    %dma_start3A_547 = tpu.memref_slice %arg4[%mul3A_544] : memref<2097152xi32, #tpu.memory_space<hbm>> -> memref<8192xi32, #tpu.memory_space<hbm>>
    %dma_start3A_548 = tpu.memref_slice %arg4[%mul3A_544] : memref<2097152xi32, #tpu.memory_space<hbm>> -> memref<8192xi32, #tpu.memory_space<hbm>>
    %dma_start3A_549 = arith.constant 8192 : i32
    %dma_start3A_550 = tpu.memref_slice %arg8[%dma_start3A_549] : memref<16384xi32, #tpu.memory_space<vmem>> -> memref<8192xi32, #tpu.memory_space<vmem>>
    tpu.enqueue_dma source(%dma_start3A_550 : memref<8192xi32, #tpu.memory_space<vmem>>) target(%dma_start3A_548 : memref<8192xi32, #tpu.memory_space<hbm>>) target_semaphore(%arg11 : memref<!tpu.dma_semaphore, #tpu.memory_space<semaphore_mem>>)
    %dma_wait3A_551 = arith.constant 0 : i32
    %dma_wait3A_552 = tpu.memref_slice %arg8[%dma_wait3A_551] : memref<16384xi32, #tpu.memory_space<vmem>> -> memref<8192xi32, #tpu.memory_space<vmem>>
    %dma_wait3A_553 = tpu.memref_slice %arg4[%mul3A_451] : memref<2097152xi32, #tpu.memory_space<hbm>> -> memref<8192xi32, #tpu.memory_space<hbm>>
    %dma_wait3A_554 = tpu.memref_slice %arg4[%mul3A_451] : memref<2097152xi32, #tpu.memory_space<hbm>> -> memref<8192xi32, #tpu.memory_space<hbm>>
    %dma_wait3A_555 = arith.constant 0 : i32
    %dma_wait3A_556 = tpu.memref_slice %arg8[%dma_wait3A_555] : memref<16384xi32, #tpu.memory_space<vmem>> -> memref<8192xi32, #tpu.memory_space<vmem>>
    tpu.wait_dma2 semaphore(%arg10 : memref<!tpu.dma_semaphore, #tpu.memory_space<semaphore_mem>>) src(%dma_wait3A_556 : memref<8192xi32, #tpu.memory_space<vmem>>) dst(%dma_wait3A_554 : memref<8192xi32, #tpu.memory_space<hbm>>)
    %add3A_557 = arith.constant 6 : i32
    %add3A_558 = arith.addi %mul3A_2, %add3A_557 : i32
    %mul3A_559 = arith.constant 8 : i32
    %mul3A_560 = arith.muli %add3A_558, %mul3A_559 : i32
    %add3A_561 = arith.constant 1 : i32
    %add3A_562 = arith.addi %mul3A_560, %add3A_561 : i32
    %broadcast_in_dim3A_563 = vector.broadcast %add3A_562 : i32 to vector<16xi32>
    %add3A_564 = arith.constant 2 : i32
    %add3A_565 = arith.addi %mul3A_560, %add3A_564 : i32
    %broadcast_in_dim3A_566 = vector.broadcast %add3A_565 : i32 to vector<16xi32>
    %add3A_567 = arith.constant 3 : i32
    %add3A_568 = arith.addi %mul3A_560, %add3A_567 : i32
    %broadcast_in_dim3A_569 = vector.broadcast %add3A_568 : i32 to vector<16xi32>
    %add3A_570 = arith.constant 4 : i32
    %add3A_571 = arith.addi %mul3A_560, %add3A_570 : i32
    %broadcast_in_dim3A_572 = vector.broadcast %add3A_571 : i32 to vector<16xi32>
    %broadcast_in_dim3A_573 = arith.constant 2147483647 : i32
    %broadcast_in_dim3A_574 = vector.broadcast %broadcast_in_dim3A_573 : i32 to vector<16xi32>
    %broadcast_in_dim3A_575 = arith.constant -2147483648 : i32
    %broadcast_in_dim3A_576 = vector.broadcast %broadcast_in_dim3A_575 : i32 to vector<16xi32>
    %scan3A_577 = arith.constant 0 : i32
    %scan3A_578 = arith.constant 50 : i32
    %scan3A_579 = arith.addi %scan3A_577, %scan3A_578 : i32
    %scan3A_580 = arith.constant 1 : i32
    %scan3A_581:2 = scf.for %scan3A_751 = %scan3A_577 to %scan3A_579 step %scan3A_580 iter_args(%scan3A_752 = %broadcast_in_dim3A_574, %scan3A_753 = %broadcast_in_dim3A_576) -> (vector<16xi32>, vector<16xi32>)  : i32 {
      %mul3A_754 = arith.constant 16 : i32
      %mul3A_755 = arith.muli %scan3A_751, %mul3A_754 : i32
      %add3A_756 = arith.constant 4800 : i32
      %add3A_757 = arith.addi %add3A_756, %mul3A_755 : i32
      %get3A = arith.index_cast %add3A_757 : i32 to index
      %get3A_758 = tpu.vector_load %arg6[%get3A] {strides = array<i32>} : memref<6400xi32, #tpu.memory_space<vmem>>, vector<16xi32>,
      %mul3A_759 = arith.constant 16 : i32
      %mul3A_760 = arith.muli %scan3A_751, %mul3A_759 : i32
      %add3A_761 = arith.constant 4800 : i32
      %add3A_762 = arith.addi %add3A_761, %mul3A_760 : i32
      %get3A_763 = arith.index_cast %add3A_762 : i32 to index
      %get3A_764 = tpu.vector_load %arg7[%get3A_763] {strides = array<i32>} : memref<6400xi32, #tpu.memory_space<vmem>>, vector<16xi32>,
      %add3A_765 = arith.constant 0 : i32
      %add3A_766 = vector.broadcast %add3A_765 : i32 to vector<16xi32>
      %add3A_767 = arith.addi %get3A_758, %add3A_766 : vector<16xi32>
      %ge3A = arith.constant 1546300800 : i32
      %ge3A_768 = vector.broadcast %ge3A : i32 to vector<16xi32>
      %ge3A_769 = arith.cmpi sge, %get3A_764, %ge3A_768 : vector<16xi32>
      tpu.vector_store_idx %arg8[%add3A_767], %broadcast_in_dim3A_563 masked %ge3A_769 : memref<16384xi32, #tpu.memory_space<vmem>>[vector<16xi32>], vector<16xi32>, vector<16xi1>
      %min3A = arith.minsi %scan3A_752, %get3A_764 : vector<16xi32>
      %eq3A_770 = arith.constant 0 : i32
      %eq3A_771 = vector.broadcast %eq3A_770 : i32 to vector<16xi32>
      %eq3A_772 = arith.cmpi eq, %get3A_758, %eq3A_771 : vector<16xi32>
      %jit3A_773 = arith.constant -2147483648 : i32
      %broadcast_in_dim3A_774 = vector.broadcast %jit3A_773 : i32 to vector<16xi32>
      %select_n3A_775 = arith.select %eq3A_772, %get3A_764, %broadcast_in_dim3A_774 : vector<16xi1>, vector<16xi32>
      %max3A = arith.maxsi %scan3A_753, %select_n3A_775 : vector<16xi32>
      scf.yield %min3A, %max3A : vector<16xi32>, vector<16xi32>
    }
    %scan3A_582 = arith.constant 50 : i32
    %scan3A_583 = arith.constant 0 : i32
    %scan3A_584 = arith.constant 0 : i32
    %scan3A_585 = arith.constant 50 : i32
    %scan3A_586 = arith.addi %scan3A_584, %scan3A_585 : i32
    %scan3A_587 = arith.constant 1 : i32
    scf.for %scan3A_751 = %scan3A_584 to %scan3A_586 step %scan3A_587  : i32 {
      %mul3A_752 = arith.constant 16 : i32
      %mul3A_753 = arith.muli %scan3A_751, %mul3A_752 : i32
      %add3A_754 = arith.constant 4800 : i32
      %add3A_755 = arith.addi %add3A_754, %mul3A_753 : i32
      %get3A = arith.index_cast %add3A_755 : i32 to index
      %get3A_756 = tpu.vector_load %arg6[%get3A] {strides = array<i32>} : memref<6400xi32, #tpu.memory_space<vmem>>, vector<16xi32>,
      %mul3A_757 = arith.constant 16 : i32
      %mul3A_758 = arith.muli %scan3A_751, %mul3A_757 : i32
      %add3A_759 = arith.constant 4800 : i32
      %add3A_760 = arith.addi %add3A_759, %mul3A_758 : i32
      %get3A_761 = arith.index_cast %add3A_760 : i32 to index
      %get3A_762 = tpu.vector_load %arg7[%get3A_761] {strides = array<i32>} : memref<6400xi32, #tpu.memory_space<vmem>>, vector<16xi32>,
      %add3A_763 = arith.constant 0 : i32
      %add3A_764 = vector.broadcast %add3A_763 : i32 to vector<16xi32>
      %add3A_765 = arith.addi %get3A_756, %add3A_764 : vector<16xi32>
      %ge3A = arith.constant 1570060800 : i32
      %ge3A_766 = vector.broadcast %ge3A : i32 to vector<16xi32>
      %ge3A_767 = arith.cmpi sge, %get3A_762, %ge3A_766 : vector<16xi32>
      tpu.vector_store_idx %arg8[%add3A_765], %broadcast_in_dim3A_566 masked %ge3A_767 : memref<16384xi32, #tpu.memory_space<vmem>>[vector<16xi32>], vector<16xi32>, vector<16xi1>
    }
    %scan3A_588 = arith.constant 50 : i32
    %scan3A_589 = arith.constant 0 : i32
    %scan3A_590 = arith.constant 0 : i32
    %scan3A_591 = arith.constant 50 : i32
    %scan3A_592 = arith.addi %scan3A_590, %scan3A_591 : i32
    %scan3A_593 = arith.constant 1 : i32
    scf.for %scan3A_751 = %scan3A_590 to %scan3A_592 step %scan3A_593  : i32 {
      %mul3A_752 = arith.constant 16 : i32
      %mul3A_753 = arith.muli %scan3A_751, %mul3A_752 : i32
      %add3A_754 = arith.constant 4800 : i32
      %add3A_755 = arith.addi %add3A_754, %mul3A_753 : i32
      %get3A = arith.index_cast %add3A_755 : i32 to index
      %get3A_756 = tpu.vector_load %arg6[%get3A] {strides = array<i32>} : memref<6400xi32, #tpu.memory_space<vmem>>, vector<16xi32>,
      %mul3A_757 = arith.constant 16 : i32
      %mul3A_758 = arith.muli %scan3A_751, %mul3A_757 : i32
      %add3A_759 = arith.constant 4800 : i32
      %add3A_760 = arith.addi %add3A_759, %mul3A_758 : i32
      %get3A_761 = arith.index_cast %add3A_760 : i32 to index
      %get3A_762 = tpu.vector_load %arg7[%get3A_761] {strides = array<i32>} : memref<6400xi32, #tpu.memory_space<vmem>>, vector<16xi32>,
      %add3A_763 = arith.constant 0 : i32
      %add3A_764 = vector.broadcast %add3A_763 : i32 to vector<16xi32>
      %add3A_765 = arith.addi %get3A_756, %add3A_764 : vector<16xi32>
      %ge3A = arith.constant 1575244800 : i32
      %ge3A_766 = vector.broadcast %ge3A : i32 to vector<16xi32>
      %ge3A_767 = arith.cmpi sge, %get3A_762, %ge3A_766 : vector<16xi32>
      tpu.vector_store_idx %arg8[%add3A_765], %broadcast_in_dim3A_569 masked %ge3A_767 : memref<16384xi32, #tpu.memory_space<vmem>>[vector<16xi32>], vector<16xi32>, vector<16xi1>
    }
    %scan3A_594 = arith.constant 50 : i32
    %scan3A_595 = arith.constant 0 : i32
    %scan3A_596 = arith.constant 0 : i32
    %scan3A_597 = arith.constant 50 : i32
    %scan3A_598 = arith.addi %scan3A_596, %scan3A_597 : i32
    %scan3A_599 = arith.constant 1 : i32
    scf.for %scan3A_751 = %scan3A_596 to %scan3A_598 step %scan3A_599  : i32 {
      %mul3A_752 = arith.constant 16 : i32
      %mul3A_753 = arith.muli %scan3A_751, %mul3A_752 : i32
      %add3A_754 = arith.constant 4800 : i32
      %add3A_755 = arith.addi %add3A_754, %mul3A_753 : i32
      %get3A = arith.index_cast %add3A_755 : i32 to index
      %get3A_756 = tpu.vector_load %arg6[%get3A] {strides = array<i32>} : memref<6400xi32, #tpu.memory_space<vmem>>, vector<16xi32>,
      %mul3A_757 = arith.constant 16 : i32
      %mul3A_758 = arith.muli %scan3A_751, %mul3A_757 : i32
      %add3A_759 = arith.constant 4800 : i32
      %add3A_760 = arith.addi %add3A_759, %mul3A_758 : i32
      %get3A_761 = arith.index_cast %add3A_760 : i32 to index
      %get3A_762 = tpu.vector_load %arg7[%get3A_761] {strides = array<i32>} : memref<6400xi32, #tpu.memory_space<vmem>>, vector<16xi32>,
      %add3A_763 = arith.constant 0 : i32
      %add3A_764 = vector.broadcast %add3A_763 : i32 to vector<16xi32>
      %add3A_765 = arith.addi %get3A_756, %add3A_764 : vector<16xi32>
      %ge3A = arith.constant 1577232000 : i32
      %ge3A_766 = vector.broadcast %ge3A : i32 to vector<16xi32>
      %ge3A_767 = arith.cmpi sge, %get3A_762, %ge3A_766 : vector<16xi32>
      tpu.vector_store_idx %arg8[%add3A_765], %broadcast_in_dim3A_572 masked %ge3A_767 : memref<16384xi32, #tpu.memory_space<vmem>>[vector<16xi32>], vector<16xi32>, vector<16xi1>
    }
    %scan3A_600 = arith.constant 50 : i32
    %broadcast_in_dim3A_601 = arith.constant 0 : i32
    %broadcast_in_dim3A_602 = vector.broadcast %broadcast_in_dim3A_601 : i32 to vector<16xi32>
    %eq3A_603 = arith.constant 0 : i32
    %eq3A_604 = vector.broadcast %eq3A_603 : i32 to vector<16xi32>
    %eq3A_605 = arith.cmpi eq, %iota3A, %eq3A_604 : vector<16xi32>
    tpu.vector_store_idx %arg8[%broadcast_in_dim3A_602], %broadcast_in_dim3A_7 masked %eq3A_605 : memref<16384xi32, #tpu.memory_space<vmem>>[vector<16xi32>], vector<16xi32>, vector<16xi1>
    %reduce_min3A_606 = arith.constant true
    %reduce_min3A_607 = vector.broadcast %reduce_min3A_606 : i1 to vector<16xi1>
    %reduce_min3A_608 = arith.constant -2147483648 : i32
    %reduce_min3A_609 = vector.broadcast %reduce_min3A_608 : i32 to vector<16xi32>
    %reduce_min3A_610 = arith.xori %scan3A_581#0, %reduce_min3A_609 : vector<16xi32>
    %reduce_min3A_611 = tpu.scan <min>, %reduce_min3A_610 masked %reduce_min3A_607 : vector<16xi32>, vector<16xi1> -> vector<16xi32>
    %reduce_min3A_612 = arith.xori %reduce_min3A_611, %reduce_min3A_609 : vector<16xi32>
    %reduce_min3A_613 = vector.extract %reduce_min3A_612[15] : i32 from vector<16xi32>
    %reduce_max3A_614 = arith.constant true
    %reduce_max3A_615 = vector.broadcast %reduce_max3A_614 : i1 to vector<16xi1>
    %reduce_max3A_616 = arith.constant -2147483648 : i32
    %reduce_max3A_617 = vector.broadcast %reduce_max3A_616 : i32 to vector<16xi32>
    %reduce_max3A_618 = arith.xori %scan3A_581#1, %reduce_max3A_617 : vector<16xi32>
    %reduce_max3A_619 = tpu.scan <max>, %reduce_max3A_618 masked %reduce_max3A_615 : vector<16xi32>, vector<16xi1> -> vector<16xi32>
    %reduce_max3A_620 = arith.xori %reduce_max3A_619, %reduce_max3A_617 : vector<16xi32>
    %reduce_max3A_621 = vector.extract %reduce_max3A_620[15] : i32 from vector<16xi32>
    %eq3A_622 = arith.constant 0 : i32
    %eq3A_623 = vector.broadcast %eq3A_622 : i32 to vector<16xi32>
    %eq3A_624 = arith.cmpi eq, %iota3A, %eq3A_623 : vector<16xi32>
    %eq3A_625 = arith.constant 1 : i32
    %eq3A_626 = vector.broadcast %eq3A_625 : i32 to vector<16xi32>
    %eq3A_627 = arith.cmpi eq, %iota3A, %eq3A_626 : vector<16xi32>
    %jit3A_628 = arith.constant 0 : i32
    %broadcast_in_dim3A_629 = vector.broadcast %reduce_max3A_621 : i32 to vector<16xi32>
    %broadcast_in_dim3A_630 = vector.broadcast %jit3A_628 : i32 to vector<16xi32>
    %select_n3A_631 = arith.select %eq3A_627, %broadcast_in_dim3A_629, %broadcast_in_dim3A_630 : vector<16xi1>, vector<16xi32>
    %broadcast_in_dim3A_632 = vector.broadcast %reduce_min3A_613 : i32 to vector<16xi32>
    %select_n3A_633 = arith.select %eq3A_624, %broadcast_in_dim3A_632, %select_n3A_631 : vector<16xi1>, vector<16xi32>
    %swap3A_634 = arith.constant 96 : index
    %swap3A_635 = tpu.vector_load %arg9[%swap3A_634] {strides = array<i32>} : memref<128xi32, #tpu.memory_space<vmem>>, vector<16xi32>,
    tpu.vector_store %arg9[%swap3A_634], %select_n3A_633 {strides = array<i32>} : memref<128xi32, #tpu.memory_space<vmem>>, vector<16xi32>,
    %mul3A_636 = arith.constant 8192 : i32
    %mul3A_637 = arith.muli %add3A_558, %mul3A_636 : i32
    %dma_start3A_638 = arith.constant 0 : i32
    %dma_start3A_639 = tpu.memref_slice %arg8[%dma_start3A_638] : memref<16384xi32, #tpu.memory_space<vmem>> -> memref<8192xi32, #tpu.memory_space<vmem>>
    %dma_start3A_640 = tpu.memref_slice %arg4[%mul3A_637] : memref<2097152xi32, #tpu.memory_space<hbm>> -> memref<8192xi32, #tpu.memory_space<hbm>>
    %dma_start3A_641 = tpu.memref_slice %arg4[%mul3A_637] : memref<2097152xi32, #tpu.memory_space<hbm>> -> memref<8192xi32, #tpu.memory_space<hbm>>
    %dma_start3A_642 = arith.constant 0 : i32
    %dma_start3A_643 = tpu.memref_slice %arg8[%dma_start3A_642] : memref<16384xi32, #tpu.memory_space<vmem>> -> memref<8192xi32, #tpu.memory_space<vmem>>
    tpu.enqueue_dma source(%dma_start3A_643 : memref<8192xi32, #tpu.memory_space<vmem>>) target(%dma_start3A_641 : memref<8192xi32, #tpu.memory_space<hbm>>) target_semaphore(%arg10 : memref<!tpu.dma_semaphore, #tpu.memory_space<semaphore_mem>>)
    %dma_wait3A_644 = arith.constant 8192 : i32
    %dma_wait3A_645 = tpu.memref_slice %arg8[%dma_wait3A_644] : memref<16384xi32, #tpu.memory_space<vmem>> -> memref<8192xi32, #tpu.memory_space<vmem>>
    %dma_wait3A_646 = tpu.memref_slice %arg4[%mul3A_544] : memref<2097152xi32, #tpu.memory_space<hbm>> -> memref<8192xi32, #tpu.memory_space<hbm>>
    %dma_wait3A_647 = tpu.memref_slice %arg4[%mul3A_544] : memref<2097152xi32, #tpu.memory_space<hbm>> -> memref<8192xi32, #tpu.memory_space<hbm>>
    %dma_wait3A_648 = arith.constant 8192 : i32
    %dma_wait3A_649 = tpu.memref_slice %arg8[%dma_wait3A_648] : memref<16384xi32, #tpu.memory_space<vmem>> -> memref<8192xi32, #tpu.memory_space<vmem>>
    tpu.wait_dma2 semaphore(%arg11 : memref<!tpu.dma_semaphore, #tpu.memory_space<semaphore_mem>>) src(%dma_wait3A_649 : memref<8192xi32, #tpu.memory_space<vmem>>) dst(%dma_wait3A_647 : memref<8192xi32, #tpu.memory_space<hbm>>)
    %add3A_650 = arith.constant 7 : i32
    %add3A_651 = arith.addi %mul3A_2, %add3A_650 : i32
    %mul3A_652 = arith.constant 8 : i32
    %mul3A_653 = arith.muli %add3A_651, %mul3A_652 : i32
    %add3A_654 = arith.constant 1 : i32
    %add3A_655 = arith.addi %mul3A_653, %add3A_654 : i32
    %broadcast_in_dim3A_656 = vector.broadcast %add3A_655 : i32 to vector<16xi32>
    %add3A_657 = arith.constant 2 : i32
    %add3A_658 = arith.addi %mul3A_653, %add3A_657 : i32
    %broadcast_in_dim3A_659 = vector.broadcast %add3A_658 : i32 to vector<16xi32>
    %add3A_660 = arith.constant 3 : i32
    %add3A_661 = arith.addi %mul3A_653, %add3A_660 : i32
    %broadcast_in_dim3A_662 = vector.broadcast %add3A_661 : i32 to vector<16xi32>
    %add3A_663 = arith.constant 4 : i32
    %add3A_664 = arith.addi %mul3A_653, %add3A_663 : i32
    %broadcast_in_dim3A_665 = vector.broadcast %add3A_664 : i32 to vector<16xi32>
    %broadcast_in_dim3A_666 = arith.constant 2147483647 : i32
    %broadcast_in_dim3A_667 = vector.broadcast %broadcast_in_dim3A_666 : i32 to vector<16xi32>
    %broadcast_in_dim3A_668 = arith.constant -2147483648 : i32
    %broadcast_in_dim3A_669 = vector.broadcast %broadcast_in_dim3A_668 : i32 to vector<16xi32>
    %scan3A_670 = arith.constant 0 : i32
    %scan3A_671 = arith.constant 50 : i32
    %scan3A_672 = arith.addi %scan3A_670, %scan3A_671 : i32
    %scan3A_673 = arith.constant 1 : i32
    %scan3A_674:2 = scf.for %scan3A_751 = %scan3A_670 to %scan3A_672 step %scan3A_673 iter_args(%scan3A_752 = %broadcast_in_dim3A_667, %scan3A_753 = %broadcast_in_dim3A_669) -> (vector<16xi32>, vector<16xi32>)  : i32 {
      %mul3A_754 = arith.constant 16 : i32
      %mul3A_755 = arith.muli %scan3A_751, %mul3A_754 : i32
      %add3A_756 = arith.constant 5600 : i32
      %add3A_757 = arith.addi %add3A_756, %mul3A_755 : i32
      %get3A = arith.index_cast %add3A_757 : i32 to index
      %get3A_758 = tpu.vector_load %arg6[%get3A] {strides = array<i32>} : memref<6400xi32, #tpu.memory_space<vmem>>, vector<16xi32>,
      %mul3A_759 = arith.constant 16 : i32
      %mul3A_760 = arith.muli %scan3A_751, %mul3A_759 : i32
      %add3A_761 = arith.constant 5600 : i32
      %add3A_762 = arith.addi %add3A_761, %mul3A_760 : i32
      %get3A_763 = arith.index_cast %add3A_762 : i32 to index
      %get3A_764 = tpu.vector_load %arg7[%get3A_763] {strides = array<i32>} : memref<6400xi32, #tpu.memory_space<vmem>>, vector<16xi32>,
      %add3A_765 = arith.constant 8192 : i32
      %add3A_766 = vector.broadcast %add3A_765 : i32 to vector<16xi32>
      %add3A_767 = arith.addi %get3A_758, %add3A_766 : vector<16xi32>
      %ge3A = arith.constant 1546300800 : i32
      %ge3A_768 = vector.broadcast %ge3A : i32 to vector<16xi32>
      %ge3A_769 = arith.cmpi sge, %get3A_764, %ge3A_768 : vector<16xi32>
      tpu.vector_store_idx %arg8[%add3A_767], %broadcast_in_dim3A_656 masked %ge3A_769 : memref<16384xi32, #tpu.memory_space<vmem>>[vector<16xi32>], vector<16xi32>, vector<16xi1>
      %min3A = arith.minsi %scan3A_752, %get3A_764 : vector<16xi32>
      %eq3A_770 = arith.constant 0 : i32
      %eq3A_771 = vector.broadcast %eq3A_770 : i32 to vector<16xi32>
      %eq3A_772 = arith.cmpi eq, %get3A_758, %eq3A_771 : vector<16xi32>
      %jit3A_773 = arith.constant -2147483648 : i32
      %broadcast_in_dim3A_774 = vector.broadcast %jit3A_773 : i32 to vector<16xi32>
      %select_n3A_775 = arith.select %eq3A_772, %get3A_764, %broadcast_in_dim3A_774 : vector<16xi1>, vector<16xi32>
      %max3A = arith.maxsi %scan3A_753, %select_n3A_775 : vector<16xi32>
      scf.yield %min3A, %max3A : vector<16xi32>, vector<16xi32>
    }
    %scan3A_675 = arith.constant 50 : i32
    %scan3A_676 = arith.constant 0 : i32
    %scan3A_677 = arith.constant 0 : i32
    %scan3A_678 = arith.constant 50 : i32
    %scan3A_679 = arith.addi %scan3A_677, %scan3A_678 : i32
    %scan3A_680 = arith.constant 1 : i32
    scf.for %scan3A_751 = %scan3A_677 to %scan3A_679 step %scan3A_680  : i32 {
      %mul3A_752 = arith.constant 16 : i32
      %mul3A_753 = arith.muli %scan3A_751, %mul3A_752 : i32
      %add3A_754 = arith.constant 5600 : i32
      %add3A_755 = arith.addi %add3A_754, %mul3A_753 : i32
      %get3A = arith.index_cast %add3A_755 : i32 to index
      %get3A_756 = tpu.vector_load %arg6[%get3A] {strides = array<i32>} : memref<6400xi32, #tpu.memory_space<vmem>>, vector<16xi32>,
      %mul3A_757 = arith.constant 16 : i32
      %mul3A_758 = arith.muli %scan3A_751, %mul3A_757 : i32
      %add3A_759 = arith.constant 5600 : i32
      %add3A_760 = arith.addi %add3A_759, %mul3A_758 : i32
      %get3A_761 = arith.index_cast %add3A_760 : i32 to index
      %get3A_762 = tpu.vector_load %arg7[%get3A_761] {strides = array<i32>} : memref<6400xi32, #tpu.memory_space<vmem>>, vector<16xi32>,
      %add3A_763 = arith.constant 8192 : i32
      %add3A_764 = vector.broadcast %add3A_763 : i32 to vector<16xi32>
      %add3A_765 = arith.addi %get3A_756, %add3A_764 : vector<16xi32>
      %ge3A = arith.constant 1570060800 : i32
      %ge3A_766 = vector.broadcast %ge3A : i32 to vector<16xi32>
      %ge3A_767 = arith.cmpi sge, %get3A_762, %ge3A_766 : vector<16xi32>
      tpu.vector_store_idx %arg8[%add3A_765], %broadcast_in_dim3A_659 masked %ge3A_767 : memref<16384xi32, #tpu.memory_space<vmem>>[vector<16xi32>], vector<16xi32>, vector<16xi1>
    }
    %scan3A_681 = arith.constant 50 : i32
    %scan3A_682 = arith.constant 0 : i32
    %scan3A_683 = arith.constant 0 : i32
    %scan3A_684 = arith.constant 50 : i32
    %scan3A_685 = arith.addi %scan3A_683, %scan3A_684 : i32
    %scan3A_686 = arith.constant 1 : i32
    scf.for %scan3A_751 = %scan3A_683 to %scan3A_685 step %scan3A_686  : i32 {
      %mul3A_752 = arith.constant 16 : i32
      %mul3A_753 = arith.muli %scan3A_751, %mul3A_752 : i32
      %add3A_754 = arith.constant 5600 : i32
      %add3A_755 = arith.addi %add3A_754, %mul3A_753 : i32
      %get3A = arith.index_cast %add3A_755 : i32 to index
      %get3A_756 = tpu.vector_load %arg6[%get3A] {strides = array<i32>} : memref<6400xi32, #tpu.memory_space<vmem>>, vector<16xi32>,
      %mul3A_757 = arith.constant 16 : i32
      %mul3A_758 = arith.muli %scan3A_751, %mul3A_757 : i32
      %add3A_759 = arith.constant 5600 : i32
      %add3A_760 = arith.addi %add3A_759, %mul3A_758 : i32
      %get3A_761 = arith.index_cast %add3A_760 : i32 to index
      %get3A_762 = tpu.vector_load %arg7[%get3A_761] {strides = array<i32>} : memref<6400xi32, #tpu.memory_space<vmem>>, vector<16xi32>,
      %add3A_763 = arith.constant 8192 : i32
      %add3A_764 = vector.broadcast %add3A_763 : i32 to vector<16xi32>
      %add3A_765 = arith.addi %get3A_756, %add3A_764 : vector<16xi32>
      %ge3A = arith.constant 1575244800 : i32
      %ge3A_766 = vector.broadcast %ge3A : i32 to vector<16xi32>
      %ge3A_767 = arith.cmpi sge, %get3A_762, %ge3A_766 : vector<16xi32>
      tpu.vector_store_idx %arg8[%add3A_765], %broadcast_in_dim3A_662 masked %ge3A_767 : memref<16384xi32, #tpu.memory_space<vmem>>[vector<16xi32>], vector<16xi32>, vector<16xi1>
    }
    %scan3A_687 = arith.constant 50 : i32
    %scan3A_688 = arith.constant 0 : i32
    %scan3A_689 = arith.constant 0 : i32
    %scan3A_690 = arith.constant 50 : i32
    %scan3A_691 = arith.addi %scan3A_689, %scan3A_690 : i32
    %scan3A_692 = arith.constant 1 : i32
    scf.for %scan3A_751 = %scan3A_689 to %scan3A_691 step %scan3A_692  : i32 {
      %mul3A_752 = arith.constant 16 : i32
      %mul3A_753 = arith.muli %scan3A_751, %mul3A_752 : i32
      %add3A_754 = arith.constant 5600 : i32
      %add3A_755 = arith.addi %add3A_754, %mul3A_753 : i32
      %get3A = arith.index_cast %add3A_755 : i32 to index
      %get3A_756 = tpu.vector_load %arg6[%get3A] {strides = array<i32>} : memref<6400xi32, #tpu.memory_space<vmem>>, vector<16xi32>,
      %mul3A_757 = arith.constant 16 : i32
      %mul3A_758 = arith.muli %scan3A_751, %mul3A_757 : i32
      %add3A_759 = arith.constant 5600 : i32
      %add3A_760 = arith.addi %add3A_759, %mul3A_758 : i32
      %get3A_761 = arith.index_cast %add3A_760 : i32 to index
      %get3A_762 = tpu.vector_load %arg7[%get3A_761] {strides = array<i32>} : memref<6400xi32, #tpu.memory_space<vmem>>, vector<16xi32>,
      %add3A_763 = arith.constant 8192 : i32
      %add3A_764 = vector.broadcast %add3A_763 : i32 to vector<16xi32>
      %add3A_765 = arith.addi %get3A_756, %add3A_764 : vector<16xi32>
      %ge3A = arith.constant 1577232000 : i32
      %ge3A_766 = vector.broadcast %ge3A : i32 to vector<16xi32>
      %ge3A_767 = arith.cmpi sge, %get3A_762, %ge3A_766 : vector<16xi32>
      tpu.vector_store_idx %arg8[%add3A_765], %broadcast_in_dim3A_665 masked %ge3A_767 : memref<16384xi32, #tpu.memory_space<vmem>>[vector<16xi32>], vector<16xi32>, vector<16xi1>
    }
    %scan3A_693 = arith.constant 50 : i32
    %broadcast_in_dim3A_694 = arith.constant 8192 : i32
    %broadcast_in_dim3A_695 = vector.broadcast %broadcast_in_dim3A_694 : i32 to vector<16xi32>
    %eq3A_696 = arith.constant 0 : i32
    %eq3A_697 = vector.broadcast %eq3A_696 : i32 to vector<16xi32>
    %eq3A_698 = arith.cmpi eq, %iota3A, %eq3A_697 : vector<16xi32>
    tpu.vector_store_idx %arg8[%broadcast_in_dim3A_695], %broadcast_in_dim3A_7 masked %eq3A_698 : memref<16384xi32, #tpu.memory_space<vmem>>[vector<16xi32>], vector<16xi32>, vector<16xi1>
    %reduce_min3A_699 = arith.constant true
    %reduce_min3A_700 = vector.broadcast %reduce_min3A_699 : i1 to vector<16xi1>
    %reduce_min3A_701 = arith.constant -2147483648 : i32
    %reduce_min3A_702 = vector.broadcast %reduce_min3A_701 : i32 to vector<16xi32>
    %reduce_min3A_703 = arith.xori %scan3A_674#0, %reduce_min3A_702 : vector<16xi32>
    %reduce_min3A_704 = tpu.scan <min>, %reduce_min3A_703 masked %reduce_min3A_700 : vector<16xi32>, vector<16xi1> -> vector<16xi32>
    %reduce_min3A_705 = arith.xori %reduce_min3A_704, %reduce_min3A_702 : vector<16xi32>
    %reduce_min3A_706 = vector.extract %reduce_min3A_705[15] : i32 from vector<16xi32>
    %reduce_max3A_707 = arith.constant true
    %reduce_max3A_708 = vector.broadcast %reduce_max3A_707 : i1 to vector<16xi1>
    %reduce_max3A_709 = arith.constant -2147483648 : i32
    %reduce_max3A_710 = vector.broadcast %reduce_max3A_709 : i32 to vector<16xi32>
    %reduce_max3A_711 = arith.xori %scan3A_674#1, %reduce_max3A_710 : vector<16xi32>
    %reduce_max3A_712 = tpu.scan <max>, %reduce_max3A_711 masked %reduce_max3A_708 : vector<16xi32>, vector<16xi1> -> vector<16xi32>
    %reduce_max3A_713 = arith.xori %reduce_max3A_712, %reduce_max3A_710 : vector<16xi32>
    %reduce_max3A_714 = vector.extract %reduce_max3A_713[15] : i32 from vector<16xi32>
    %eq3A_715 = arith.constant 0 : i32
    %eq3A_716 = vector.broadcast %eq3A_715 : i32 to vector<16xi32>
    %eq3A_717 = arith.cmpi eq, %iota3A, %eq3A_716 : vector<16xi32>
    %eq3A_718 = arith.constant 1 : i32
    %eq3A_719 = vector.broadcast %eq3A_718 : i32 to vector<16xi32>
    %eq3A_720 = arith.cmpi eq, %iota3A, %eq3A_719 : vector<16xi32>
    %jit3A_721 = arith.constant 0 : i32
    %broadcast_in_dim3A_722 = vector.broadcast %reduce_max3A_714 : i32 to vector<16xi32>
    %broadcast_in_dim3A_723 = vector.broadcast %jit3A_721 : i32 to vector<16xi32>
    %select_n3A_724 = arith.select %eq3A_720, %broadcast_in_dim3A_722, %broadcast_in_dim3A_723 : vector<16xi1>, vector<16xi32>
    %broadcast_in_dim3A_725 = vector.broadcast %reduce_min3A_706 : i32 to vector<16xi32>
    %select_n3A_726 = arith.select %eq3A_717, %broadcast_in_dim3A_725, %select_n3A_724 : vector<16xi1>, vector<16xi32>
    %swap3A_727 = arith.constant 112 : index
    %swap3A_728 = tpu.vector_load %arg9[%swap3A_727] {strides = array<i32>} : memref<128xi32, #tpu.memory_space<vmem>>, vector<16xi32>,
    tpu.vector_store %arg9[%swap3A_727], %select_n3A_726 {strides = array<i32>} : memref<128xi32, #tpu.memory_space<vmem>>, vector<16xi32>,
    %mul3A_729 = arith.constant 8192 : i32
    %mul3A_730 = arith.muli %add3A_651, %mul3A_729 : i32
    %dma_start3A_731 = arith.constant 8192 : i32
    %dma_start3A_732 = tpu.memref_slice %arg8[%dma_start3A_731] : memref<16384xi32, #tpu.memory_space<vmem>> -> memref<8192xi32, #tpu.memory_space<vmem>>
    %dma_start3A_733 = tpu.memref_slice %arg4[%mul3A_730] : memref<2097152xi32, #tpu.memory_space<hbm>> -> memref<8192xi32, #tpu.memory_space<hbm>>
    %dma_start3A_734 = tpu.memref_slice %arg4[%mul3A_730] : memref<2097152xi32, #tpu.memory_space<hbm>> -> memref<8192xi32, #tpu.memory_space<hbm>>
    %dma_start3A_735 = arith.constant 8192 : i32
    %dma_start3A_736 = tpu.memref_slice %arg8[%dma_start3A_735] : memref<16384xi32, #tpu.memory_space<vmem>> -> memref<8192xi32, #tpu.memory_space<vmem>>
    tpu.enqueue_dma source(%dma_start3A_736 : memref<8192xi32, #tpu.memory_space<vmem>>) target(%dma_start3A_734 : memref<8192xi32, #tpu.memory_space<hbm>>) target_semaphore(%arg11 : memref<!tpu.dma_semaphore, #tpu.memory_space<semaphore_mem>>)
    %dma_wait3A_737 = arith.constant 0 : i32
    %dma_wait3A_738 = tpu.memref_slice %arg8[%dma_wait3A_737] : memref<16384xi32, #tpu.memory_space<vmem>> -> memref<8192xi32, #tpu.memory_space<vmem>>
    %dma_wait3A_739 = tpu.memref_slice %arg4[%mul3A_637] : memref<2097152xi32, #tpu.memory_space<hbm>> -> memref<8192xi32, #tpu.memory_space<hbm>>
    %dma_wait3A_740 = tpu.memref_slice %arg4[%mul3A_637] : memref<2097152xi32, #tpu.memory_space<hbm>> -> memref<8192xi32, #tpu.memory_space<hbm>>
    %dma_wait3A_741 = arith.constant 0 : i32
    %dma_wait3A_742 = tpu.memref_slice %arg8[%dma_wait3A_741] : memref<16384xi32, #tpu.memory_space<vmem>> -> memref<8192xi32, #tpu.memory_space<vmem>>
    tpu.wait_dma2 semaphore(%arg10 : memref<!tpu.dma_semaphore, #tpu.memory_space<semaphore_mem>>) src(%dma_wait3A_742 : memref<8192xi32, #tpu.memory_space<vmem>>) dst(%dma_wait3A_740 : memref<8192xi32, #tpu.memory_space<hbm>>)
    %dma_wait3A_743 = arith.constant 8192 : i32
    %dma_wait3A_744 = tpu.memref_slice %arg8[%dma_wait3A_743] : memref<16384xi32, #tpu.memory_space<vmem>> -> memref<8192xi32, #tpu.memory_space<vmem>>
    %dma_wait3A_745 = tpu.memref_slice %arg4[%mul3A_730] : memref<2097152xi32, #tpu.memory_space<hbm>> -> memref<8192xi32, #tpu.memory_space<hbm>>
    %dma_wait3A_746 = tpu.memref_slice %arg4[%mul3A_730] : memref<2097152xi32, #tpu.memory_space<hbm>> -> memref<8192xi32, #tpu.memory_space<hbm>>
    %dma_wait3A_747 = arith.constant 8192 : i32
    %dma_wait3A_748 = tpu.memref_slice %arg8[%dma_wait3A_747] : memref<16384xi32, #tpu.memory_space<vmem>> -> memref<8192xi32, #tpu.memory_space<vmem>>
    tpu.wait_dma2 semaphore(%arg11 : memref<!tpu.dma_semaphore, #tpu.memory_space<semaphore_mem>>) src(%dma_wait3A_748 : memref<8192xi32, #tpu.memory_space<vmem>>) dst(%dma_wait3A_746 : memref<8192xi32, #tpu.memory_space<hbm>>)
    %mul3A_749 = arith.constant 16 : i32
    %mul3A_750 = arith.muli %mul3A_2, %mul3A_749 : i32
    "tpu.region"() ({
      %run_scoped3A = tpu.sem_alloc : memref<!tpu.dma_semaphore, #tpu.memory_space<semaphore_mem>>
      %dma_start3A_751 = tpu.memref_slice %arg5[%mul3A_750] : memref<4096xi32, #tpu.memory_space<hbm>> -> memref<128xi32, #tpu.memory_space<hbm>>
      %dma_start3A_752 = tpu.memref_slice %arg5[%mul3A_750] : memref<4096xi32, #tpu.memory_space<hbm>> -> memref<128xi32, #tpu.memory_space<hbm>>
      tpu.enqueue_dma source(%arg9 : memref<128xi32, #tpu.memory_space<vmem>>) target(%dma_start3A_752 : memref<128xi32, #tpu.memory_space<hbm>>) target_semaphore(%run_scoped3A : memref<!tpu.dma_semaphore, #tpu.memory_space<semaphore_mem>>)
      %dma_wait3A_753 = tpu.memref_slice %arg5[%mul3A_750] : memref<4096xi32, #tpu.memory_space<hbm>> -> memref<128xi32, #tpu.memory_space<hbm>>
      %dma_wait3A_754 = tpu.memref_slice %arg5[%mul3A_750] : memref<4096xi32, #tpu.memory_space<hbm>> -> memref<128xi32, #tpu.memory_space<hbm>>
      tpu.wait_dma2 semaphore(%run_scoped3A : memref<!tpu.dma_semaphore, #tpu.memory_space<semaphore_mem>>) src(%arg9 : memref<128xi32, #tpu.memory_space<vmem>>) dst(%dma_wait3A_754 : memref<128xi32, #tpu.memory_space<hbm>>)
      tpu.yield
    }) : () -> ()
    return
  }
}

module attributes {stable_mosaic.version = 14 : i64} {
  func.func @body(%arg0: i32, %arg1: memref<256x1024xi32, #tpu.memory_space<vmem>>, %arg2: memref<8x1024xf32, #tpu.memory_space<vmem>>, %arg3: memref<8x1024xf32, #tpu.memory_space<vmem>>, %arg4: memref<8x1024xf32, #tpu.memory_space<vmem>>, %arg5: memref<8x1024xf32, #tpu.memory_space<vmem>>, %arg6: memref<256x16xi32, #tpu.memory_space<vmem>>, %arg7: memref<4x8xf32, #tpu.memory_space<vmem>>, %arg8: memref<1x8xf32, #tpu.memory_space<vmem>>, %arg9: memref<256x8xf32, #tpu.memory_space<vmem>>, %arg10: memref<256x8xf32, #tpu.memory_space<vmem>>) attributes {dimension_semantics = [#tpu.dimension_semantics<arbitrary>], iteration_bounds = array<i64: 8>, scalar_prefetch = 0 : i64, scratch_operands = 1 : i64, tpu.core_type = #tpu.core_type<tc>, window_params = [{transform_indices = @transform_0, window_bounds = array<i64: 256, 1024>}, {transform_indices = @transform_1, window_bounds = array<i64: 8, 1024>}, {transform_indices = @transform_2, window_bounds = array<i64: 8, 1024>}, {transform_indices = @transform_3, window_bounds = array<i64: 8, 1024>}, {transform_indices = @transform_4, window_bounds = array<i64: 8, 1024>}, {pipeline_mode = #tpu.pipeline_mode<synchronous>, transform_indices = @transform_5, window_bounds = array<i64: 256, 16>}, {pipeline_mode = #tpu.pipeline_mode<synchronous>, transform_indices = @transform_6, window_bounds = array<i64: 4, 8>}, {pipeline_mode = #tpu.pipeline_mode<synchronous>, transform_indices = @transform_7, window_bounds = array<i64: 1, 8>}, {pipeline_mode = #tpu.pipeline_mode<synchronous>, transform_indices = @transform_8, window_bounds = array<i64: 256, 8>}]} {
    %eq3A = arith.constant 0 : i32
    %eq3A_0 = arith.cmpi eq, %arg0, %eq3A : i32
    %convert_element_type3A = arith.extui %eq3A_0 : i1 to i32
    %cond3A = arith.constant 0 : i32
    %cond3A_1 = arith.cmpi ne, %convert_element_type3A, %cond3A : i32
    scf.if %cond3A_1 {
      %broadcast_in_dim3A_71 = arith.constant 0.000000e+00 : f32
      %broadcast_in_dim3A_72 = vector.broadcast %broadcast_in_dim3A_71 : f32 to vector<256x8xf32>
      %swap3A_73 = arith.constant 0 : index
      %swap3A_74 = arith.constant 0 : index
      %swap3A_75 = vector.load %arg10[%swap3A_73, %swap3A_74] : memref<256x8xf32, #tpu.memory_space<vmem>>, vector<256x8xf32>
      tpu.vector_store %arg10[%swap3A_73, %swap3A_74], %broadcast_in_dim3A_72 {strides = array<i32>} : memref<256x8xf32, #tpu.memory_space<vmem>>, vector<256x8xf32>,
    } else {
    }
    %get3A = arith.constant 0 : index
    %get3A_2 = arith.constant 0 : index
    %get3A_3 = vector.load %arg1[%get3A, %get3A_2] : memref<256x1024xi32, #tpu.memory_space<vmem>>, vector<256x1024xi32>
    %iota3A = tpu.iota {dimensions = array<i32: 0>} : vector<256x1024xi32>
    %shift_left3A = arith.constant 3 : i32
    %shift_left3A_4 = vector.broadcast %shift_left3A : i32 to vector<256x1024xi32>
    %shift_left3A_5 = arith.shli %iota3A, %shift_left3A_4 : vector<256x1024xi32>
    %sub3A = arith.subi %get3A_3, %shift_left3A_5 : vector<256x1024xi32>
    %get3A_6 = arith.constant 0 : index
    %get3A_7 = arith.constant 0 : index
    %get3A_8 = vector.load %arg10[%get3A_6, %get3A_7] : memref<256x8xf32, #tpu.memory_space<vmem>>, vector<256x8xf32>
    %broadcast_in_dim3A = arith.constant 0.000000e+00 : f32
    %broadcast_in_dim3A_9 = vector.broadcast %broadcast_in_dim3A : f32 to vector<8x1024xf32>
    %get3A_10 = arith.constant 0 : index
    %get3A_11 = arith.constant 0 : index
    %get3A_12 = vector.load %arg5[%get3A_10, %get3A_11] : memref<8x1024xf32, #tpu.memory_space<vmem>>, vector<8x1024xf32>
    %add3A = arith.addf %broadcast_in_dim3A_9, %get3A_12 : vector<8x1024xf32>
    %eq3A_13 = arith.constant 1 : i32
    %eq3A_14 = vector.broadcast %eq3A_13 : i32 to vector<256x1024xi32>
    %eq3A_15 = arith.cmpi eq, %sub3A, %eq3A_14 : vector<256x1024xi32>
    %convert_element_type3A_16 = arith.extui %eq3A_15 : vector<256x1024xi1> to vector<256x1024xi32>
    %convert_element_type3A_17 = arith.sitofp %convert_element_type3A_16 : vector<256x1024xi32> to vector<256x1024xf32>
    %convert_element_type3A_18 = arith.truncf %convert_element_type3A_17 : vector<256x1024xf32> to vector<256x1024xbf16>
    %convert_element_type3A_19 = arith.truncf %add3A : vector<8x1024xf32> to vector<8x1024xbf16>
    %dot_general3A = arith.constant dense<0.000000e+00> : vector<256x8xf32>
    %dot_general3A_20 = tpu.matmul %convert_element_type3A_18, %convert_element_type3A_19, %dot_general3A {dimension_numbers = #tpu.dot_dimension_numbers<[1], [1], [0], [0], [0, 0, 1, 0], [], []>, transpose_lhs_hint = false} : vector<256x1024xbf16>, vector<8x1024xbf16>, vector<256x8xf32> -> vector<256x8xf32>
    %add3A_21 = arith.addf %get3A_8, %dot_general3A_20 : vector<256x8xf32>
    %get3A_22 = arith.constant 0 : index
    %get3A_23 = arith.constant 0 : index
    %get3A_24 = vector.load %arg4[%get3A_22, %get3A_23] : memref<8x1024xf32, #tpu.memory_space<vmem>>, vector<8x1024xf32>
    %add3A_25 = arith.addf %add3A, %get3A_24 : vector<8x1024xf32>
    %eq3A_26 = arith.constant 2 : i32
    %eq3A_27 = vector.broadcast %eq3A_26 : i32 to vector<256x1024xi32>
    %eq3A_28 = arith.cmpi eq, %sub3A, %eq3A_27 : vector<256x1024xi32>
    %convert_element_type3A_29 = arith.extui %eq3A_28 : vector<256x1024xi1> to vector<256x1024xi32>
    %convert_element_type3A_30 = arith.sitofp %convert_element_type3A_29 : vector<256x1024xi32> to vector<256x1024xf32>
    %convert_element_type3A_31 = arith.truncf %convert_element_type3A_30 : vector<256x1024xf32> to vector<256x1024xbf16>
    %convert_element_type3A_32 = arith.truncf %add3A_25 : vector<8x1024xf32> to vector<8x1024xbf16>
    %dot_general3A_33 = arith.constant dense<0.000000e+00> : vector<256x8xf32>
    %dot_general3A_34 = tpu.matmul %convert_element_type3A_31, %convert_element_type3A_32, %dot_general3A_33 {dimension_numbers = #tpu.dot_dimension_numbers<[1], [1], [0], [0], [0, 0, 1, 0], [], []>, transpose_lhs_hint = false} : vector<256x1024xbf16>, vector<8x1024xbf16>, vector<256x8xf32> -> vector<256x8xf32>
    %add3A_35 = arith.addf %add3A_21, %dot_general3A_34 : vector<256x8xf32>
    %get3A_36 = arith.constant 0 : index
    %get3A_37 = arith.constant 0 : index
    %get3A_38 = vector.load %arg3[%get3A_36, %get3A_37] : memref<8x1024xf32, #tpu.memory_space<vmem>>, vector<8x1024xf32>
    %add3A_39 = arith.addf %add3A_25, %get3A_38 : vector<8x1024xf32>
    %eq3A_40 = arith.constant 3 : i32
    %eq3A_41 = vector.broadcast %eq3A_40 : i32 to vector<256x1024xi32>
    %eq3A_42 = arith.cmpi eq, %sub3A, %eq3A_41 : vector<256x1024xi32>
    %convert_element_type3A_43 = arith.extui %eq3A_42 : vector<256x1024xi1> to vector<256x1024xi32>
    %convert_element_type3A_44 = arith.sitofp %convert_element_type3A_43 : vector<256x1024xi32> to vector<256x1024xf32>
    %convert_element_type3A_45 = arith.truncf %convert_element_type3A_44 : vector<256x1024xf32> to vector<256x1024xbf16>
    %convert_element_type3A_46 = arith.truncf %add3A_39 : vector<8x1024xf32> to vector<8x1024xbf16>
    %dot_general3A_47 = arith.constant dense<0.000000e+00> : vector<256x8xf32>
    %dot_general3A_48 = tpu.matmul %convert_element_type3A_45, %convert_element_type3A_46, %dot_general3A_47 {dimension_numbers = #tpu.dot_dimension_numbers<[1], [1], [0], [0], [0, 0, 1, 0], [], []>, transpose_lhs_hint = false} : vector<256x1024xbf16>, vector<8x1024xbf16>, vector<256x8xf32> -> vector<256x8xf32>
    %add3A_49 = arith.addf %add3A_35, %dot_general3A_48 : vector<256x8xf32>
    %get3A_50 = arith.constant 0 : index
    %get3A_51 = arith.constant 0 : index
    %get3A_52 = vector.load %arg2[%get3A_50, %get3A_51] : memref<8x1024xf32, #tpu.memory_space<vmem>>, vector<8x1024xf32>
    %add3A_53 = arith.addf %add3A_39, %get3A_52 : vector<8x1024xf32>
    %eq3A_54 = arith.constant 4 : i32
    %eq3A_55 = vector.broadcast %eq3A_54 : i32 to vector<256x1024xi32>
    %eq3A_56 = arith.cmpi eq, %sub3A, %eq3A_55 : vector<256x1024xi32>
    %convert_element_type3A_57 = arith.extui %eq3A_56 : vector<256x1024xi1> to vector<256x1024xi32>
    %convert_element_type3A_58 = arith.sitofp %convert_element_type3A_57 : vector<256x1024xi32> to vector<256x1024xf32>
    %convert_element_type3A_59 = arith.truncf %convert_element_type3A_58 : vector<256x1024xf32> to vector<256x1024xbf16>
    %convert_element_type3A_60 = arith.truncf %add3A_53 : vector<8x1024xf32> to vector<8x1024xbf16>
    %dot_general3A_61 = arith.constant dense<0.000000e+00> : vector<256x8xf32>
    %dot_general3A_62 = tpu.matmul %convert_element_type3A_59, %convert_element_type3A_60, %dot_general3A_61 {dimension_numbers = #tpu.dot_dimension_numbers<[1], [1], [0], [0], [0, 0, 1, 0], [], []>, transpose_lhs_hint = false} : vector<256x1024xbf16>, vector<8x1024xbf16>, vector<256x8xf32> -> vector<256x8xf32>
    %add3A_63 = arith.addf %add3A_49, %dot_general3A_62 : vector<256x8xf32>
    %swap3A = arith.constant 0 : index
    %swap3A_64 = arith.constant 0 : index
    %swap3A_65 = vector.load %arg10[%swap3A, %swap3A_64] : memref<256x8xf32, #tpu.memory_space<vmem>>, vector<256x8xf32>
    tpu.vector_store %arg10[%swap3A, %swap3A_64], %add3A_63 {strides = array<i32>} : memref<256x8xf32, #tpu.memory_space<vmem>>, vector<256x8xf32>,
    %eq3A_66 = arith.constant 7 : i32
    %eq3A_67 = arith.cmpi eq, %arg0, %eq3A_66 : i32
    %convert_element_type3A_68 = arith.extui %eq3A_67 : i1 to i32
    %cond3A_69 = arith.constant 0 : i32
    %cond3A_70 = arith.cmpi ne, %convert_element_type3A_68, %cond3A_69 : i32
    scf.if %cond3A_70 {
      %get3A_71 = arith.constant 0 : index
      %get3A_72 = arith.constant 0 : index
      %get3A_73 = vector.load %arg6[%get3A_71, %get3A_72] : memref<256x16xi32, #tpu.memory_space<vmem>>, vector<256x1xi32>
      %get3A_74 = arith.constant 0 : index
      %get3A_75 = arith.constant 1 : index
      %get3A_76 = vector.load %arg6[%get3A_74, %get3A_75] : memref<256x16xi32, #tpu.memory_space<vmem>>, vector<256x1xi32>
      %iota3A_77 = tpu.iota {dimensions = array<i32: 1>} : vector<1x4xi32>
      %broadcast_in_dim3A_78 = arith.constant 1577232000 : i32
      %broadcast_in_dim3A_79 = vector.broadcast %broadcast_in_dim3A_78 : i32 to vector<1x4xi32>
      %eq3A_80 = arith.constant 1 : i32
      %eq3A_81 = vector.broadcast %eq3A_80 : i32 to vector<1x4xi32>
      %eq3A_82 = arith.cmpi eq, %iota3A_77, %eq3A_81 : vector<1x4xi32>
      %jit3A = arith.constant 1575244800 : i32
      %broadcast_in_dim3A_83 = vector.broadcast %jit3A : i32 to vector<1x4xi32>
      %select_n3A = arith.select %eq3A_82, %broadcast_in_dim3A_83, %broadcast_in_dim3A_79 : vector<1x4xi1>, vector<1x4xi32>
      %eq3A_84 = arith.constant 2 : i32
      %eq3A_85 = vector.broadcast %eq3A_84 : i32 to vector<1x4xi32>
      %eq3A_86 = arith.cmpi eq, %iota3A_77, %eq3A_85 : vector<1x4xi32>
      %jit3A_87 = arith.constant 1570060800 : i32
      %broadcast_in_dim3A_88 = vector.broadcast %jit3A_87 : i32 to vector<1x4xi32>
      %select_n3A_89 = arith.select %eq3A_86, %broadcast_in_dim3A_88, %select_n3A : vector<1x4xi1>, vector<1x4xi32>
      %eq3A_90 = arith.constant 3 : i32
      %eq3A_91 = vector.broadcast %eq3A_90 : i32 to vector<1x4xi32>
      %eq3A_92 = arith.cmpi eq, %iota3A_77, %eq3A_91 : vector<1x4xi32>
      %jit3A_93 = arith.constant 1546300800 : i32
      %broadcast_in_dim3A_94 = vector.broadcast %jit3A_93 : i32 to vector<1x4xi32>
      %select_n3A_95 = arith.select %eq3A_92, %broadcast_in_dim3A_94, %select_n3A_89 : vector<1x4xi1>, vector<1x4xi32>
      %lt3A = vector.broadcast %get3A_73 : vector<256x1xi32> to vector<256x4xi32>
      %lt3A_96 = vector.broadcast %select_n3A_95 : vector<1x4xi32> to vector<256x4xi32>
      %lt3A_97 = arith.cmpi slt, %lt3A, %lt3A_96 : vector<256x4xi32>
      %ge3A = vector.broadcast %get3A_76 : vector<256x1xi32> to vector<256x4xi32>
      %ge3A_98 = vector.broadcast %select_n3A_95 : vector<1x4xi32> to vector<256x4xi32>
      %ge3A_99 = arith.cmpi sge, %ge3A, %ge3A_98 : vector<256x4xi32>
      %or3A = arith.ori %lt3A_97, %ge3A_99 : vector<256x4xi1>
      %convert_element_type3A_100 = arith.extui %or3A : vector<256x4xi1> to vector<256x4xi32>
      %convert_element_type3A_101 = arith.sitofp %convert_element_type3A_100 : vector<256x4xi32> to vector<256x4xf32>
      %get3A_102 = arith.constant 0 : index
      %get3A_103 = arith.constant 0 : index
      %get3A_104 = vector.load %arg10[%get3A_102, %get3A_103] : memref<256x8xf32, #tpu.memory_space<vmem>>, vector<256x8xf32>
      %get3A_105 = arith.constant 0 : index
      %get3A_106 = arith.constant 0 : index
      %get3A_107 = vector.load %arg7[%get3A_105, %get3A_106] : memref<4x8xf32, #tpu.memory_space<vmem>>, vector<4x8xf32>
      %dot_general3A_108 = arith.constant dense<0.000000e+00> : vector<256x8xf32>
      %dot_general3A_109 = tpu.matmul %convert_element_type3A_101, %get3A_107, %dot_general3A_108 {dimension_numbers = #tpu.dot_dimension_numbers<[1], [0], [0], [1], [0, 0, 1, 1], [], []>, transpose_lhs_hint = false} : vector<256x4xf32>, vector<4x8xf32>, vector<256x8xf32> -> vector<256x8xf32>
      %add3A_110 = arith.addf %get3A_104, %dot_general3A_109 : vector<256x8xf32>
      %get3A_111 = arith.constant 0 : index
      %get3A_112 = arith.constant 0 : index
      %get3A_113 = vector.load %arg8[%get3A_111, %get3A_112] : memref<1x8xf32, #tpu.memory_space<vmem>>, vector<1x8xf32>
      %add3A_114 = vector.broadcast %get3A_113 : vector<1x8xf32> to vector<256x8xf32>
      %add3A_115 = arith.addf %add3A_110, %add3A_114 : vector<256x8xf32>
      %swap3A_116 = arith.constant 0 : index
      %swap3A_117 = arith.constant 0 : index
      %swap3A_118 = vector.load %arg9[%swap3A_116, %swap3A_117] : memref<256x8xf32, #tpu.memory_space<vmem>>, vector<256x8xf32>
      tpu.vector_store %arg9[%swap3A_116, %swap3A_117], %add3A_115 {strides = array<i32>} : memref<256x8xf32, #tpu.memory_space<vmem>>, vector<256x8xf32>,
    } else {
    }
    return
  }
  func.func @transform_0(%arg0: i32) -> (i32, i32) {
    %c0_i32 = arith.constant 0 : i32
    %c0_i32_0 = arith.constant 0 : i32
    return %c0_i32, %arg0 : i32, i32
  }
  func.func @transform_1(%arg0: i32) -> (i32, i32) {
    %add3A = arith.constant 0 : i32
    %add3A_0 = arith.addi %add3A, %arg0 : i32
    %c0_i32 = arith.constant 0 : i32
    %c0_i32_1 = arith.constant 0 : i32
    return %c0_i32, %add3A_0 : i32, i32
  }
  func.func @transform_2(%arg0: i32) -> (i32, i32) {
    %add3A = arith.constant 8 : i32
    %add3A_0 = arith.addi %add3A, %arg0 : i32
    %c0_i32 = arith.constant 0 : i32
    %c0_i32_1 = arith.constant 0 : i32
    return %c0_i32, %add3A_0 : i32, i32
  }
  func.func @transform_3(%arg0: i32) -> (i32, i32) {
    %add3A = arith.constant 16 : i32
    %add3A_0 = arith.addi %add3A, %arg0 : i32
    %c0_i32 = arith.constant 0 : i32
    %c0_i32_1 = arith.constant 0 : i32
    return %c0_i32, %add3A_0 : i32, i32
  }
  func.func @transform_4(%arg0: i32) -> (i32, i32) {
    %add3A = arith.constant 24 : i32
    %add3A_0 = arith.addi %add3A, %arg0 : i32
    %c0_i32 = arith.constant 0 : i32
    %c0_i32_1 = arith.constant 0 : i32
    return %c0_i32, %add3A_0 : i32, i32
  }
  func.func @transform_5(%arg0: i32) -> (i32, i32) {
    %c0_i32 = arith.constant 0 : i32
    %c0_i32_0 = arith.constant 0 : i32
    %c0_i32_1 = arith.constant 0 : i32
    return %c0_i32, %c0_i32_0 : i32, i32
  }
  func.func @transform_6(%arg0: i32) -> (i32, i32) {
    %c0_i32 = arith.constant 0 : i32
    %c0_i32_0 = arith.constant 0 : i32
    %c0_i32_1 = arith.constant 0 : i32
    return %c0_i32, %c0_i32_0 : i32, i32
  }
  func.func @transform_7(%arg0: i32) -> (i32, i32) {
    %c0_i32 = arith.constant 0 : i32
    %c0_i32_0 = arith.constant 0 : i32
    %c0_i32_1 = arith.constant 0 : i32
    return %c0_i32, %c0_i32_0 : i32, i32
  }
  func.func @transform_8(%arg0: i32) -> (i32, i32) {
    %c0_i32 = arith.constant 0 : i32
    %c0_i32_0 = arith.constant 0 : i32
    %c0_i32_1 = arith.constant 0 : i32
    return %c0_i32, %c0_i32_0 : i32, i32
  }
}

</mosaic_0001>

<sc_bundles>
// kernel: kernel.4.cloned.1.call-start
scs
__scs_entry_jumppad:
0x0: {  	(pc) =	sbr.rel $0x88, $3  }
0x1: {  	(tag) =	ssettag $0x0;
	lr =	simm.s32 $0x1  }
0x2: {  	[smem:$0x3F9D] =	sst lr;
	_ =	strace $0xD0000000  }
0x3: {  	_ = 	snop  }
0x4: {  	_ = 	snop  }
0x5: {  	_ = 	snop  }
0x6: {  	_ = 	snop  }
0x7: {  	_ = 	snop  }
__scs_overlays_trampoline_lowered:
0x8: {  	[smem:$0x3FAC] =	sst s0  }
0x9: {  	[smem:$0x3FAD] =	sst s1  }
0xa: {  	[smem:$0x3FAE] =	sst s2  }
0xb: {  	[smem:$0x3FAF] =	sst s3  }
0xc: {  	[smem:$0x3FB0] =	sst s4  }
0xd: {  	[smem:$0x3FB1] =	sst s5  }
0xe: {  	[smem:$0x3FB2] =	sst s6  }
0xf: {  	[smem:$0x3FB3] =	sst s7  }
0x10: {  	[smem:$0x3FB4] =	sst s8  }
0x11: {  	[smem:$0x3FB5] =	sst s9;
	s0 =	simm.s32 @!p0 $0x0  }
0x12: {  	s1 =	sld [smem:$0x3F9B];
	s0 =	simm.s32 @p0 $0x1  }
0x13: {  	[smem:$0x3FB6] =	sst s0;
	s0 =	simm.s32 @!p1 $0x0  }
0x14: {  	s2 =	sld [smem:$0x3F9A];
	s0 =	simm.s32 @p1 $0x1  }
0x15: {  	[smem:$0x3FB7] =	sst s0;
	s0 =	simm.s32 @!p2 $0x0  }
0x16: {  	s3 =	sld [smem:$0x3FDB];
	s0 =	simm.s32 @p2 $0x1  }
0x17: {  	s4 =	simm.s32 $0x1BF5;
	[smem:$0x3FB9] =	sst s0  }
0x18: {  	s0 =	sld [smem:$0x3F9C];
	_ =	swait.ge [sflag:s4], $0x0  }
0x19: {  	s7 =	sld [smem:$0x3F9D]  }
0x1a: {  	s8 =	sadd.s32 $0xFFFFE003, lr  }
0x1b: {  	s9 =	sadd.s32 $0xFFFFFEF7, lr;
	s5 =	simm.s32 $0xFFFFFFFF;
	p2 =	slt.u32 s8, $0xFFFFF086  }
0x1c: {  	p1 =	slt.u32 s9, $0xF7A;
	s5 =	simm.s32 @!p2 $0x0  }
0x1d: {  	s5 =	simm.s32 @p1 $0x1;
	p0 =	seq.s32 s7, s2  }
0x1e: {  	s7 =	smul.u32 @!p0 $0xF7A, s2;
	p2 =	seq.s32 @!p0 s5, $0x0  }
0x1f: {  	s9 =	smul.u32 $0xF7A, s1;
	s8 =	simm.s32 @!p0 $0x1BF5;
	p2 =	por !p2, p0  }
0x20: {  	[sflag:s8] =	ssyncset.s32 @!p0 $0xFFFFF086;
	s6 =	sadd.s32 @!p0 s3, s7;
	s7 =	simm.s32 @!p0 $0x108  }
0x21: {  	s3 =	sadd.s32 s3, s9;
	s6 =	sadd.s32 @!p0 $0x88, s6;
	s7 =	simm.s32 @p2 $0x1082  }
0x22: {  	[simem:s7], [sflag:s8] =	dma.local @!p0 [hbm:s6], $0xF7A  }
0x23: {  	s9 =	sor.u32 $0xD0000000, s2;
	s6 =	simm.s32 $0x108;
	_ =	swait.ge @!p0 [sflag:s8], $0x0  }
0x24: {  	s3 =	sadd.s32 $0x88, s3;
	s6 =	simm.s32 @!p1 $0x1082;
	[sflag:s4] =	ssyncset.s32 $0xFFFFF086  }
0x25: {  	[simem:s6], [sflag:s4] =	dma.local [hbm:s3], $0xF7A  }
0x26: {  	[smem:$0x3F9D] =	sst s1;
	(tag) =	ssettag s2;
	_ =	strace s9  }
0x27: {  	s1 =	sld [smem:$0x3FAD]  }
0x28: {  	s2 =	sld [smem:$0x3FAE]  }
0x29: {  	s4 =	sld [smem:$0x3FB0]  }
0x2a: {  	p0 =	seq.s32 s5, $0x0;
	s5 =	sld [smem:$0x3FB1]  }
0x2b: {  	s6 =	sld [smem:$0x3FB2]  }
0x2c: {  	s7 =	sld [smem:$0x3FB3]  }
0x2d: {  	s3 =	simm.s32 $0x108;
	s8 =	sld [smem:$0x3FB4]  }
0x2e: {  	s3 =	simm.s32 @!p0 $0x1082;
	s9 =	sld [smem:$0x3FB5]  }
0x2f: {  	lr =	sadd.s32 s0, s3;
	s0 =	sld [smem:$0x3FAC]  }
0x30: {  	s3 =	sld [smem:$0x3FAF]  }
0x31: {  	[smem:$0x3FB8] =	sst s10  }
0x32: {  	s10 =	sld [smem:$0x3FB6];
	_ =	sdelay $0x3  }
0x33: {  	p0 =	seq.s32 s10, $0x1;
	s10 =	sld [smem:$0x3FB8];
	_ =	sdelay $0x3  }
0x34: {  	[smem:$0x3FB8] =	sst s10  }
0x35: {  	s10 =	sld [smem:$0x3FB7];
	_ =	sdelay $0x3  }
0x36: {  	p1 =	seq.s32 s10, $0x1;
	s10 =	sld [smem:$0x3FB8];
	_ =	sdelay $0x3  }
0x37: {  	[smem:$0x3FB8] =	sst s10  }
0x38: {  	s10 =	sld [smem:$0x3FB9]  }
0x39: {  	_ = 	snop;
	(pc) =	sbr.ind lr, $3  }
0x3a: {  	_ = 	snop  }
0x3b: {  	_ = 	snop  }
0x3c: {  	p2 =	seq.s32 s10, $0x1;
	s10 =	sld [smem:$0x3FB8]  }
0x3d: {  	_ =	shalt  }
0x3e: {  	_ =	shalt  }
0x3f: {  	_ =	shalt  }
0x40: {  	_ =	shalt  }
0x41: {  	_ =	shalt  }
0x42: {  	_ =	shalt  }
0x43: {  	_ =	shalt  }
0x44: {  	_ =	shalt  }
0x45: {  	_ =	shalt  }
0x46: {  	_ =	shalt  }
0x47: {  	_ =	shalt  }
0x48: {  	_ =	shalt  }
0x49: {  	_ =	shalt  }
0x4a: {  	_ =	shalt  }
0x4b: {  	_ =	shalt  }
0x4c: {  	_ =	shalt  }
0x4d: {  	_ =	shalt  }
0x4e: {  	_ =	shalt  }
0x4f: {  	_ =	shalt  }
0x50: {  	_ =	shalt  }
0x51: {  	_ =	shalt  }
0x52: {  	_ =	shalt  }
0x53: {  	_ =	shalt  }
0x54: {  	_ =	shalt  }
0x55: {  	_ =	shalt  }
0x56: {  	_ =	shalt  }
0x57: {  	_ =	shalt  }
0x58: {  	_ =	shalt  }
0x59: {  	_ =	shalt  }
0x5a: {  	_ =	shalt  }
0x5b: {  	_ =	shalt  }
0x5c: {  	_ =	shalt  }
0x5d: {  	_ =	shalt  }
0x5e: {  	_ =	shalt  }
0x5f: {  	_ =	shalt  }
0x60: {  	_ =	shalt  }
0x61: {  	_ =	shalt  }
0x62: {  	_ =	shalt  }
0x63: {  	_ =	shalt  }
0x64: {  	_ =	shalt  }
0x65: {  	_ =	shalt  }
0x66: {  	_ =	shalt  }
0x67: {  	_ =	shalt  }
0x68: {  	_ =	shalt  }
0x69: {  	_ =	shalt  }
0x6a: {  	_ =	shalt  }
0x6b: {  	_ =	shalt  }
0x6c: {  	_ =	shalt  }
0x6d: {  	_ =	shalt  }
0x6e: {  	_ =	shalt  }
0x6f: {  	_ =	shalt  }
0x70: {  	_ =	shalt  }
0x71: {  	_ =	shalt  }
0x72: {  	_ =	shalt  }
0x73: {  	_ =	shalt  }
0x74: {  	_ =	shalt  }
0x75: {  	_ =	shalt  }
0x76: {  	_ =	shalt  }
0x77: {  	_ =	shalt  }
0x78: {  	_ =	shalt  }
0x79: {  	_ =	shalt  }
0x7a: {  	_ =	shalt  }
0x7b: {  	_ =	shalt  }
0x7c: {  	_ =	shalt  }
0x7d: {  	_ =	shalt  }
0x7e: {  	_ =	shalt  }
0x7f: {  	_ =	shalt  }
0x80: {  	_ =	shalt  }
0x81: {  	_ =	shalt  }
0x82: {  	_ =	shalt  }
0x83: {  	_ =	shalt  }
0x84: {  	_ =	shalt  }
0x85: {  	_ =	shalt  }
0x86: {  	_ =	shalt  }
0x87: {  	_ =	shalt  }
.Lfunc_end0:
.L_simem_size_0:
called_computation_lowered:
.L_overlay_start_0:
0x88: {  	s2 =	sld [smem:$0x3FD9]  }
0x89: {  	s3 =	sld [smem:$0x3FFE];
	_ =	sdelay $0x1  }
0x8a: {  	s1 =	srdreg.scid  }
0x8b: {  	s0 =	sand.u32 $0x1, s1  }
0x8c: {  	s16 =	sshll.u32 s0, $0xA;
	s2 =	sadd.s32 s3, s2  }
0x8d: {  	s2 =	sadd.s32 s2, s16  }
0x8e: {  	[smem:$0x3FC4] =	sst s2  }
0x8f: {  	_ = 	snop  }
0x90: {  	(tm) =	ssettm $0x1  }
0x91: {  	s17 =	sld [smem:$0x3FFB];
	_ =	sdelay $0x3  }
0x92: {  	_ =	strace s17  }
0x93: {  	s2 =	sld [smem:$0x3FFC];
	_ =	sdelay $0x3  }
0x94: {  	_ =	strace s2  }
0x95: {  	s2 =	sld [smem:$0x3FFD];
	_ =	sdelay $0x3  }
0x96: {  	_ =	strace s2  }
0x97: {  	_ =	strace $0x8FFFFFFF  }
0x98: {  	s18 =	sld [smem:$0x3FDB];
	_ =	sdelay $0x1  }
0x99: {  	s19 =	simm.s32 $_scs_section_size  }
0x9a: {  	s4 =	simm.s32 $_size__tile_overlayer_lowered;
	s5 =	simm.s32 $_tile_overlayer_lowered  }
0x9b: {  	s22 =	simm.s32 $0x1BFF;
	s21 =	sshll.u32 s5, $0x1;
	s2 =	sadd.s32 s19, s18  }
0x9c: {  	s6 =	simm.s32 $0x0;
	s20 =	sshll.u32 s4, $0x1;
	s4 =	sadd.s32 s21, s2  }
0x9d: {  	[timem:s6], [sflag:s22] =	dma.local [hbm:s4], s20  }
0x9e: {  	_ =	swait.ge [sflag:s22], s20  }
0x9f: {  	s3 =	ssub.s32 $0x0, s20;
	[sflag:s22] =	ssyncset.done $0x0  }
0xa0: {  	[sflag:s22] =	ssyncadd.s32 s3;
	_ =	sdelay $0x1  }
0xa1: {  	s23 =	simm.s32 $0x1B8B  }
0xa2: {  	_ =	swait.ge [sflag:s23], $0x1  }
0xa3: {  	[sflag:s23] =	ssyncset.done $0x0  }
0xa4: {  	s25 =	simm.s32 $0x1B8E;
	s24 =	sld [smem:$0x3FFE];
	[sflag:s23] =	ssyncadd.s32 $0xFFFFFFFF  }
0xa5: {  	s26 =	simm.s32 $execute0_lowered;
	[smem:$0x3FD2] =	sst s25  }
0xa6: {  	s4 =	sshll.u32 s26, $0x1;
	_ =	strace $0x80000046;
	[dreg:$0x1] =	wrdreg $0xFFFFFFFF  }
0xa7: {  	s28 =	simm.s32 $_size_execute0_lowered;
	s2 =	sadd.s32 s2, s4;
	[dreg:$0x0] =	wrdreg $0x0  }
0xa8: {  	s4 =	sshll.u32 s28, $0x1;
	[dreg:$0x2] =	wrdreg s2  }
0xa9: {  	[dreg:$0x3] =	wrdreg s4  }
0xaa: {  	[dreg:$0x4] =	wrdreg $0xC0  }
0xab: {  	_ =	task [dreg:s6], $0x5FFFF  }
0xac: {  	[dreg:$0x1] =	wrdreg $0xFFFFFFFF  }
0xad: {  	[dreg:$0x0] =	wrdreg $0x60  }
0xae: {  	[dreg:$0x2] =	wrdreg s24  }
0xaf: {  	[dreg:$0x3] =	wrdreg $0x9  }
0xb0: {  	_ =	task.clear_ibuf [dreg:s6], $0x4FFFF;
	_ =	strace $0x90000046  }
0xb1: {  	s29 =	simm.s32 $0x9;
	_ =	strace $0x80000048  }
0xb2: {  	_ =	swait.ge [sflag:s29], $0x1  }
0xb3: {  	[sflag:s29] =	ssyncadd.s32 $0xFFFFFFFF  }
0xb4: {  	_ =	strace $0x90000048  }
0xb5: {  	_ =	sfence  }
0xb6: {  	s30 =	sld [smem:$0x0];
	_ =	sdelay $0x2  }
0xb7: {  	s31 =	sshll.u32 s1, $0xD;
	s1 =	sshrl.u32 s1, $0x2  }
0xb8: {  	s3 =	sand.u32 $0x4000, s31;
	s1 =	sadd.s32 s1, s30  }
0xb9: {  	s0 =	sor.u32 s3, s0;
	s1 =	sshll.u32 s1, $0x11  }
0xba: {  	s0 =	sor.u32 s1, s0  }
0xbb: {  	s0 =	sadd.s32 $0x8F2B, s0  }
0xbc: {  	[sflag:s0] =	ssyncadd.remote.s32 $0x1  }
0xbd: {  	_ =	sfence.sel $0xFFFF  }
0xbe: {  	[dreg:$0x0] =	wrdreg $0xFFFFFFFF;
	(pc) =	sbr.abs _section_cstart, $3  }
0xbf: {  	[dreg:$0x1] =	wrdreg $0xFFFFFFFF  }
0xc0: {  	_ =	task.clear_ibuf [dreg:s6], $0x2FFFF;
	_ =	strace $0x9FFFFFFF  }
0xc1: {  	(tm) =	ssettm $0x7FFFFFFF  }
tec
execute0_lowered:
.L_overlay_start_1:
0x0: {  	(tag) =	ssettag $0x1  }
0x1: {  	s1 =	srdreg.scid  }
0x2: {  	s0 =	stileid.u32;
	s4 =	rddreg [dreg:$0x0]  }
0x3: {  	s2 =	simm.s32 $0x0;
	s3 =	sand.u32 $0x1, s1;
	s24 =	sshll.u32 s0, $0x1  }
0x4: {  	[smem:$0x7FF] =	sst s2;
	s12 =	sadd.s32 $0xD800, s4;
	s11 =	sor.u32 s3, s24  }
0x5: {  	_ =	strace $0x80000047;
	s3 =	ssub.s32 $0x2, s3;
	s5 =	smul.u32 $0x320, s11  }
0x6: {  	s6 =	sshll.u32 s11, $0x4;
	s7 =	sshrl.u32 s3, $0x1;
	s10 =	sshll.u32 s11, $0x3  }
0x7: {  	s28 =	sshll.u32 s11, $0x6;
	s30 =	sshll.u32 s11, $0xD;
	s25 =	sadd.s32 s6, s4  }
0x8: {  	s26 =	ssub.s32 s3, s7;
	s9 =	sor.u32 $0x1, s28;
	s15 =	sor.u32 $0x2, s28  }
0x9: {  	s29 =	sor.u32 $0x1, s10;
	s16 =	sor.u32 $0x3, s28;
	s17 =	sor.u32 $0x4, s28  }
0xa: {  	s31 =	sor.u32 $0x2, s10;
	s5 =	sadd.s32 s5, s4;
	[dreg:$0x3] =	wrdreg s25  }
0xb: {  	[dreg:$0x2] =	wrdreg s26;
	s8 =	sshll.u32 s29, $0x3;
	s6 =	sshll.u32 s29, $0xA  }
0xc: {  	s0 =	sshll.u32 s31, $0x3;
	s7 =	sshll.u32 s31, $0xA;
	s25 =	sor.u32 $0x3, s10  }
0xd: {  	s4 =	sor.u32 $0x4, s10;
	v3 =	vmov s17;
	s17 =	sor.u32 $0x5, s10;
	s14 =	sadd.s32 $0x7400, s5  }
0xe: {  	s13 =	sadd.s32 $0x1000, s5;
	s5 =	sadd.s32 s12, s30;
	s18 =	sor.u32 $0x1, s8  }
0xf: {  	s19 =	sor.u32 $0x2, s8;
	s20 =	sor.u32 $0x3, s8;
	s21 =	sor.u32 $0x4, s8  }
0x10: {  	s6 =	sadd.s32 s12, s6;
	s22 =	sor.u32 $0x1, s0;
	s23 =	sor.u32 $0x2, s0  }
0x11: {  	s24 =	sor.u32 $0x3, s0;
	s26 =	sor.u32 $0x4, s0;
	s7 =	sadd.s32 s12, s7  }
0x12: {  	s1 =	sshll.u32 s25, $0x3;
	s3 =	sshll.u32 s25, $0xA;
	s25 =	sshll.u32 s4, $0xA  }
0x13: {  	v1 =	vmov s15;
	s15 =	sshll.u32 s17, $0xA;
	s28 =	sor.u32 $0x1, s1;
	s29 =	sor.u32 $0x2, s1  }
0x14: {  	s30 =	sor.u32 $0x3, s1;
	s31 =	sor.u32 $0x4, s1;
	s8 =	sadd.s32 s12, s3  }
0x15: {  	v0 =	vmov s9;
	s1 =	sshll.u32 s4, $0x3;
	s9 =	sadd.s32 s12, s25;
	v5 =	vmov s19;
	s19 =	sshll.u32 s17, $0x3  }
0x16: {  	v6 =	vmov s20;
	s20 =	sor.u32 $0x6, s10;
	s10 =	sadd.s32 s12, s15;
	s15 =	simm.s32 $0x3  }
0x17: {  	v4 =	vmov s18;
	v7 =	vmov s21;
	s18 =	simm.s32 $0x5200;
	s21 =	simm.s32 $0x7200;
	s0 =	sor.u32 $0x1, s1  }
0x18: {  	s3 =	sor.u32 $0x2, s1;
	s4 =	sor.u32 $0x3, s1;
	s1 =	sor.u32 $0x4, s1  }
0x19: {  	v32 =	vimm.s32 $0xFFFFFFFF;
	v8 =	vmov s22;
	v9 =	vmov s23;
	s22 =	sor.u32 $0x1, s19;
	s23 =	sor.u32 $0x2, s19;
	s25 =	sor.u32 $0x3, s19  }
0x1a: {  	v2 =	vmov s16;
	v12 =	vmov s28;
	s16 =	sor.u32 $0x4, s19;
	s28 =	sshll.u32 s20, $0x3;
	v14 =	vmov s30;
	s30 =	sshllo.u32 s11, $0x3  }
0x1b: {  	v33 =	vimm.s32 $0x0;
	vm0 =	vcmask $0x300;
	v13 =	vmov s29;
	s11 =	sshll.u32 s20, $0xA;
	s20 =	simm.s32 $0x2;
	s29 =	sor.u32 $0x1, s28  }
0x1c: {  	vm1 =	vcmask $0x704;
	v15 =	vmov s31;
	s31 =	sor.u32 $0x2, s28;
	v18 =	vmov s4;
	s4 =	sor.u32 $0x3, s28;
	s17 =	sshll.u32 s30, $0x3  }
0x1d: {  	v34 =	vimm.s32 $0x2000;
	v10 =	vmov s24;
	v11 =	vmov s26;
	s19 =	sor.u32 $0x4, s28;
	s11 =	sadd.s32 s12, s11;
	s28 =	sshll.u32 s30, $0xA  }
0x1e: {  	v16 =	vmov s0;
	v17 =	vmov s3;
	v23 =	vmov s16;
	s30 =	rddreg [dreg:$0x3];
	s3 =	smov.u32 s14;
	s16 =	simm.s32 $0x1900  }
0x1f: {  	v19 =	vmov s1;
	v20 =	vmov s22;
	v22 =	vmov s25;
	s22 =	simm.s32 $0x0;
	s24 =	sor.u32 $0x1, s17;
	s25 =	sor.u32 $0x2, s17  }
0x20: {  	v21 =	vmov s23;
	v24 =	vmov s29;
	s26 =	sor.u32 $0x3, s17;
	v26 =	vmov s4;
	s29 =	sor.u32 $0x4, s17;
	s4 =	smov.u32 s13  }
0x21: {  	v25 =	vmov s31;
	v27 =	vmov s19;
	s12 =	sadd.s32 s12, s28;
	s13 =	sadd.s32 $0x4D800, s30;
	s31 =	rddreg [dreg:$0x2];
	v28 =	vmov s24  }
0x22: {  	s17 =	simm.s32 $0x3200;
	s19 =	simm.s32 $0x1;
	v29 =	vmov s25;
	v30 =	vmov s26;
	s14 =	smax.u32 s31, $0x1;
	v31 =	vmov s29  }
.LBB2_1:
0x23: {  	[tilespmem:s2], [sflag:$0x3] =	stream.linear.gather [hbm4b:s3+s2], $0x1900, $0x38;
	[tilespmem:$0x7280] =	vst v63  }
0x24: {  	_ =	swait.ge [sflag:s15], $0x1900  }
0x25: {  	[sflag:s15] =	ssyncset.done $0x0  }
0x26: {  	[sflag:s15] =	ssyncadd.s32 $0xFFFFE700  }
0x27: {  	[tilespmem:s16], [sflag:$0x3] =	stream.linear.gather [hbm4b:s4+s2], $0x1900, $0x38;
	[tilespmem:$0x7280] =	vst v63  }
0x28: {  	_ =	swait.ge [sflag:s15], $0x1900  }
0x29: {  	[sflag:s15] =	ssyncset.done $0x0  }
0x2a: {  	s23 =	simm.s32 $0x0;
	[sflag:s15] =	ssyncadd.s32 $0xFFFFE700  }
.LBB2_2:
0x2b: {  	p0 =	sne.s32 s23, $0xFFC0  }
.Ltmp0:
0x2c: {  	_ = 	snop;
	(pc) =	sbr.rel @p0 .LBB2_2-.Ltmp0, $3  }
0x2d: {  	_ =	sdelay $0x1  }
0x2e: {  	s0 =	sshra.s32 s23, $0x2  }
0x2f: {  	s23 =	sadd.s32 $0x40, s23;
	[tilespmem:s0+$0x3200] =	vst v32  }
0x30: {  	s0 =	simm.s32 $0x0  }
0x31: {  	v37 =	vld [tilespmem:s0+$0x0]  }
0x32: {  	v36 =	vld [tilespmem:s0+$0x1900];
	_ =	sdelay $0x3  }
0x33: {  	vm2 =	veq.s32 v37, $0x0  }
0x34: {  	v38 =	vnsel vm2, $0x80000000, v36;
	vm2 =	vgt.s32 v36, $0x5C2AAD7F;
	_ =	sdelay $0x1  }
0x35: {  	v39 =	vimm.s32 $0x7FFFFFFF  }
0x36: {  	v35 =	vimm.s32 $0x80000000;
	vm3 =	vlt.s32 v39, v36  }
0x37: {  	s23 =	simm.s32 $0x40;
	s24 =	simm.s32 $0x80;
	s25 =	simm.s32 $0x40;
	v36 =	vsel vm3, v39, v36;
	vm3 =	vgt.s32 v35, v38  }
.LBB2_4:
0x38: {  	p0 =	sne.s32 s24, $0xC40  }
0x39: {  	s0 =	sshra.s32 s25, $0x2;
	[tilespmem:v37+s17+$0x0] =	vst.idx.msk vm2, v0;
	v35 =	vsel vm3, v35, v38;
	s25 =	smov.u32 s24;
	s24 =	sadd.s32 $0x40, s24  }
0x3a: {  	v38 =	vld [tilespmem:s0+$0x1900];
	_ =	sdelay $0x2  }
0x3b: {  	v37 =	vld [tilespmem:s0+$0x0];
	_ =	sdelay $0x1  }
0x3c: {  	vm2 =	vgt.s32 v38, $0x5C2AAD7F;
	vm3 =	vlt.s32 v36, v38  }
.Ltmp1:
0x3d: {  	v36 =	vsel vm3, v36, v38;
	(pc) =	sbr.rel @p0 .LBB2_4-.Ltmp1, $4  }
0x3e: {  	_ = 	snop  }
0x3f: {  	vm3 =	veq.s32 v37, $0x0  }
0x40: {  	v38 =	vnsel vm3, $0x80000000, v38  }
0x41: {  	vm3 =	vgt.s32 v35, v38  }
0x42: {  	_ =	sdelay $0x4  }
0x43: {  	s0 =	sshra.s32 s25, $0x2;
	[tilespmem:v37+s17+$0x0] =	vst.idx.msk vm2, v0  }
0x44: {  	v37 =	vld [tilespmem:s0+$0x1900];
	_ =	sdelay $0x2  }
0x45: {  	v39 =	vld [tilespmem:s0+$0x0];
	_ =	sdelay $0x1  }
0x46: {  	vm2 =	vgt.s32 v37, $0x5C2AAD7F;
	_ =	sdelay $0x2  }
0x47: {  	vm4 =	veq.s32 v39, $0x0  }
0x48: {  	v35 =	vsel vm3, v35, v38;
	v63 =	vnsel vm4, $0x80000000, v37  }
0x49: {  	vm3 =	vlt.s32 v36, v37;
	vm4 =	vgt.s32 v35, v63  }
0x4a: {  	s24 =	simm.s32 $0x0;
	v36 =	vsel vm3, v36, v37;
	v35 =	vsel vm4, v35, v63;
	[tilespmem:v39+s17+$0x0] =	vst.idx.msk vm2, v0  }
.LBB2_6:
0x4b: {  	p0 =	sne.s32 s23, $0xC40;
	v37 =	vld [tilespmem:s24+$0x1900];
	_ =	sdelay $0x2  }
0x4c: {  	v38 =	vld [tilespmem:s24+$0x0];
	_ =	sdelay $0x1  }
0x4d: {  	vm2 =	vgt.s32 v37, $0x5D9539FF;
	_ =	sdelay $0x1  }
.Ltmp2:
0x4e: {  	(pc) =	sbr.rel @p0 .LBB2_6-.Ltmp2, $2  }
0x4f: {  	_ =	sdelay $0x2  }
0x50: {  	s24 =	sshra.s32 s23, $0x2;
	s23 =	sadd.s32 $0x40, s23;
	[tilespmem:v38+s17+$0x0] =	vst.idx.msk vm2, v1  }
0x51: {  	v37 =	vld [tilespmem:s24+$0x1900];
	_ =	sdelay $0x2  }
0x52: {  	v38 =	vld [tilespmem:s24+$0x0];
	_ =	sdelay $0x1  }
0x53: {  	vm2 =	vgt.s32 v37, $0x5D9539FF;
	_ =	sdelay $0x5  }
0x54: {  	s24 =	simm.s32 $0x0;
	s23 =	simm.s32 $0x40;
	[tilespmem:v38+s17+$0x0] =	vst.idx.msk vm2, v1  }
.LBB2_8:
0x55: {  	p0 =	sne.s32 s23, $0xC40;
	v37 =	vld [tilespmem:s24+$0x1900];
	_ =	sdelay $0x2  }
0x56: {  	v38 =	vld [tilespmem:s24+$0x0];
	_ =	sdelay $0x1  }
0x57: {  	vm2 =	vgt.s32 v37, $0x5DE453FF;
	_ =	sdelay $0x1  }
.Ltmp3:
0x58: {  	(pc) =	sbr.rel @p0 .LBB2_8-.Ltmp3, $2  }
0x59: {  	_ =	sdelay $0x2  }
0x5a: {  	s24 =	sshra.s32 s23, $0x2;
	s23 =	sadd.s32 $0x40, s23;
	[tilespmem:v38+s17+$0x0] =	vst.idx.msk vm2, v2  }
0x5b: {  	v37 =	vld [tilespmem:s24+$0x1900];
	_ =	sdelay $0x2  }
0x5c: {  	v38 =	vld [tilespmem:s24+$0x0];
	_ =	sdelay $0x1  }
0x5d: {  	vm2 =	vgt.s32 v37, $0x5DE453FF;
	_ =	sdelay $0x5  }
0x5e: {  	s23 =	simm.s32 $0x0;
	s24 =	simm.s32 $0x40;
	[tilespmem:v38+s17+$0x0] =	vst.idx.msk vm2, v2  }
.LBB2_10:
0x5f: {  	p0 =	sne.s32 s24, $0xC40;
	v37 =	vld [tilespmem:s23+$0x1900];
	_ =	sdelay $0x2  }
0x60: {  	v38 =	vld [tilespmem:s23+$0x0];
	_ =	sdelay $0x1  }
0x61: {  	vm2 =	vgt.s32 v37, $0x5E02A67F;
	_ =	sdelay $0x1  }
.Ltmp4:
0x62: {  	(pc) =	sbr.rel @p0 .LBB2_10-.Ltmp4, $2  }
0x63: {  	_ =	sdelay $0x2  }
0x64: {  	s23 =	sshra.s32 s24, $0x2;
	s24 =	sadd.s32 $0x40, s24;
	[tilespmem:v38+s17+$0x0] =	vst.idx.msk vm2, v3  }
0x65: {  	v36 =	vxor.u32 $0x80000000, v36  }
0x66: {  	(xrf0) =	vmin.scan.msk.u32 $0xffff, v36  }
0x67: {  	v35 =	vxor.u32 $0x80000000, v35  }
0x68: {  	(xrf0) =	vmax.scan.msk.u32 $0xffff, v35;
	_ =	sdelay $0x3  }
0x69: {  	v59, _, _ =	vpop (xrf0)  }
0x6a: {  	(v2sf) =	vpush v59, $0xF  }
0x6b: {  	v60, _, _ =	vpop (xrf0)  }
0x6c: {  	(v2sf) =	vpush v60, $0xF;
	_ =	sdelay $0x4  }
0x6d: {  	v61 =	vld [tilespmem:s23+$0x1900];
	_ =	sdelay $0x2  }
0x6e: {  	v62 =	vld [tilespmem:s23+$0x0];
	_ =	sdelay $0x1  }
0x6f: {  	vm2 =	vgt.s32 v61, $0x5E02A67F;
	_ =	sdelay $0x2  }
0x70: {  	s0 =	spop (v2sf)  }
0x71: {  	s0 =	sxor.u32 $0x80000000, s0  }
0x72: {  	s1 =	spop (v2sf);
	v63 =	vmov s0  }
0x73: {  	[tilespmem:v62+s17+$0x0] =	vst.idx.msk vm2, v3;
	s30 =	sxor.u32 $0x80000000, s1;
	v35 =	vnsel vm0, $0x0, v63  }
0x74: {  	[tilespmem:v33+s17+$0x0] =	vst.idx.msk $0x1, v32;
	v35 =	vsel vm1, s30, v35  }
0x75: {  	s31 =	simm.s32 $0x0;
	s24 =	simm.s32 $0x0;
	s23 =	simm.s32 $0x40;
	[tilespmem:$0x7200] =	vst v35  }
0x76: {  	v36 =	vimm.s32 $0x7FFFFFFF;
	v35 =	vimm.s32 $0x80000000;
	[hbm4b:s5+s31] =	stream.linear.scatter [tilespmem:s17], [sflag:$0x1], $0x2000, $0x38;
	[tilespmem:$0x7280] =	vst v63  }
.LBB2_12:
0x77: {  	p0 =	sne.s32 s23, $0xC40;
	v37 =	vld [tilespmem:s24+$0x1C20]  }
0x78: {  	v38 =	vld [tilespmem:s24+$0x320];
	_ =	sdelay $0x3  }
0x79: {  	vm2 =	vgt.s32 v37, $0x5C2AAD7F;
	vm3 =	vlt.s32 v36, v37  }
0x7a: {  	v39 =	vadd.s32 $0x2000, v38;
	v36 =	vsel vm3, v36, v37;
	vm3 =	veq.s32 v38, $0x0  }
.Ltmp5:
0x7b: {  	v37 =	vnsel vm3, $0x80000000, v37;
	(pc) =	sbr.rel @p0 .LBB2_12-.Ltmp5, $3  }
0x7c: {  	vm3 =	vgt.s32 v35, v37  }
0x7d: {  	v35 =	vsel vm3, v35, v37;
	_ =	sdelay $0x1  }
0x7e: {  	s24 =	sshra.s32 s23, $0x2;
	s23 =	sadd.s32 $0x40, s23;
	[tilespmem:v39+s17+$0x0] =	vst.idx.msk vm2, v4  }
0x7f: {  	v37 =	vld [tilespmem:s24+$0x1C20]  }
0x80: {  	v38 =	vld [tilespmem:s24+$0x320];
	_ =	sdelay $0x3  }
0x81: {  	vm2 =	vgt.s32 v37, $0x5C2AAD7F  }
0x82: {  	v39 =	vadd.s32 $0x2000, v38;
	_ =	sdelay $0x1  }
0x83: {  	vm3 =	veq.s32 v38, $0x0  }
0x84: {  	v38 =	vnsel vm3, $0x80000000, v37  }
0x85: {  	vm3 =	vlt.s32 v36, v37;
	vm4 =	vgt.s32 v35, v38  }
0x86: {  	s24 =	simm.s32 $0x0;
	s23 =	simm.s32 $0x40;
	v36 =	vsel vm3, v36, v37;
	v35 =	vsel vm4, v35, v38;
	[tilespmem:v39+s17+$0x0] =	vst.idx.msk vm2, v4  }
.LBB2_14:
0x87: {  	p0 =	sne.s32 s23, $0xC40;
	v37 =	vld [tilespmem:s24+$0x1C20]  }
0x88: {  	v38 =	vld [tilespmem:s24+$0x320];
	_ =	sdelay $0x3  }
0x89: {  	vm2 =	vgt.s32 v37, $0x5D9539FF  }
0x8a: {  	v37 =	vadd.s32 $0x2000, v38  }
.Ltmp6:
0x8b: {  	(pc) =	sbr.rel @p0 .LBB2_14-.Ltmp6, $2  }
0x8c: {  	_ =	sdelay $0x2  }
0x8d: {  	s24 =	sshra.s32 s23, $0x2;
	s23 =	sadd.s32 $0x40, s23;
	[tilespmem:v37+s17+$0x0] =	vst.idx.msk vm2, v5  }
0x8e: {  	v37 =	vld [tilespmem:s24+$0x1C20]  }
0x8f: {  	v38 =	vld [tilespmem:s24+$0x320];
	_ =	sdelay $0x3  }
0x90: {  	vm2 =	vgt.s32 v37, $0x5D9539FF  }
0x91: {  	v63 =	vadd.s32 $0x2000, v38;
	_ =	sdelay $0x4  }
0x92: {  	s24 =	simm.s32 $0x0;
	s23 =	simm.s32 $0x40;
	[tilespmem:v63+s17+$0x0] =	vst.idx.msk vm2, v5  }
.LBB2_16:
0x93: {  	p0 =	sne.s32 s23, $0xC40;
	v37 =	vld [tilespmem:s24+$0x1C20]  }
0x94: {  	v38 =	vld [tilespmem:s24+$0x320];
	_ =	sdelay $0x3  }
0x95: {  	vm2 =	vgt.s32 v37, $0x5DE453FF  }
0x96: {  	v37 =	vadd.s32 $0x2000, v38  }
.Ltmp7:
0x97: {  	(pc) =	sbr.rel @p0 .LBB2_16-.Ltmp7, $2  }
0x98: {  	_ =	sdelay $0x2  }
0x99: {  	s24 =	sshra.s32 s23, $0x2;
	s23 =	sadd.s32 $0x40, s23;
	[tilespmem:v37+s17+$0x0] =	vst.idx.msk vm2, v6  }
0x9a: {  	v37 =	vld [tilespmem:s24+$0x1C20]  }
0x9b: {  	v38 =	vld [tilespmem:s24+$0x320];
	_ =	sdelay $0x3  }
0x9c: {  	vm2 =	vgt.s32 v37, $0x5DE453FF  }
0x9d: {  	v63 =	vadd.s32 $0x2000, v38;
	_ =	sdelay $0x4  }
0x9e: {  	s24 =	simm.s32 $0x0;
	s23 =	simm.s32 $0x40;
	[tilespmem:v63+s17+$0x0] =	vst.idx.msk vm2, v6  }
.LBB2_18:
0x9f: {  	p0 =	sne.s32 s23, $0xC40;
	v37 =	vld [tilespmem:s24+$0x1C20]  }
0xa0: {  	v38 =	vld [tilespmem:s24+$0x320];
	_ =	sdelay $0x3  }
0xa1: {  	vm2 =	vgt.s32 v37, $0x5E02A67F  }
0xa2: {  	v37 =	vadd.s32 $0x2000, v38  }
.Ltmp8:
0xa3: {  	(pc) =	sbr.rel @p0 .LBB2_18-.Ltmp8, $2  }
0xa4: {  	_ =	sdelay $0x2  }
0xa5: {  	s24 =	sshra.s32 s23, $0x2;
	s23 =	sadd.s32 $0x40, s23;
	[tilespmem:v37+s17+$0x0] =	vst.idx.msk vm2, v7  }
0xa6: {  	v36 =	vxor.u32 $0x80000000, v36  }
0xa7: {  	(xrf0) =	vmin.scan.msk.u32 $0xffff, v36  }
0xa8: {  	v35 =	vxor.u32 $0x80000000, v35  }
0xa9: {  	(xrf0) =	vmax.scan.msk.u32 $0xffff, v35;
	_ =	sdelay $0x3  }
0xaa: {  	v56, _, _ =	vpop (xrf0)  }
0xab: {  	(v2sf) =	vpush v56, $0xF  }
0xac: {  	v57, _, _ =	vpop (xrf0)  }
0xad: {  	(v2sf) =	vpush v57, $0xF;
	_ =	sdelay $0x4  }
0xae: {  	v58 =	vld [tilespmem:s24+$0x1C20]  }
0xaf: {  	v59 =	vld [tilespmem:s24+$0x320];
	_ =	sdelay $0x3  }
0xb0: {  	vm2 =	vgt.s32 v58, $0x5E02A67F  }
0xb1: {  	v60 =	vadd.s32 $0x2000, v59;
	_ =	sdelay $0x1  }
0xb2: {  	s0 =	spop (v2sf)  }
0xb3: {  	s0 =	sxor.u32 $0x80000000, s0  }
0xb4: {  	s1 =	spop (v2sf);
	v61 =	vmov s0  }
0xb5: {  	[tilespmem:v60+s17+$0x0] =	vst.idx.msk vm2, v7;
	s29 =	sxor.u32 $0x80000000, s1;
	v62 =	vnsel vm0, $0x0, v61  }
0xb6: {  	[tilespmem:v34+s17+$0x0] =	vst.idx.msk $0x1, v32;
	v35 =	vsel vm1, s29, v62  }
0xb7: {  	s30 =	simm.s32 $0x0;
	[tilespmem:$0x7210] =	vst v35  }
0xb8: {  	[hbm4b:s6+s30] =	stream.linear.scatter [tilespmem:s18], [sflag:$0x2], $0x2000, $0x38;
	[tilespmem:$0x7280] =	vst v63  }
0xb9: {  	_ =	swait.ge [sflag:s19], $0x2000  }
0xba: {  	[sflag:s19] =	ssyncset.done $0x0  }
0xbb: {  	s31 =	simm.s32 $0x0;
	[sflag:s19] =	ssyncadd.s32 $0xFFFFE000  }
0xbc: {  	v37 =	vld [tilespmem:s31+$0x640]  }
0xbd: {  	v63 =	vld [tilespmem:s31+$0x1F40];
	_ =	sdelay $0x3  }
0xbe: {  	vm2 =	veq.s32 v37, $0x0  }
0xbf: {  	v38 =	vnsel vm2, $0x80000000, v63;
	vm2 =	vgt.s32 v63, $0x5C2AAD7F;
	_ =	sdelay $0x1  }
0xc0: {  	v39 =	vimm.s32 $0x7FFFFFFF  }
0xc1: {  	v35 =	vimm.s32 $0x80000000;
	vm3 =	vlt.s32 v39, v63  }
0xc2: {  	s23 =	simm.s32 $0x40;
	s24 =	simm.s32 $0x80;
	s25 =	simm.s32 $0x40;
	v36 =	vsel vm3, v39, v63;
	vm3 =	vgt.s32 v35, v38  }
.LBB2_20:
0xc3: {  	p0 =	sne.s32 s24, $0xC40  }
0xc4: {  	s0 =	sshra.s32 s25, $0x2;
	[tilespmem:v37+s17+$0x0] =	vst.idx.msk vm2, v8;
	v35 =	vsel vm3, v35, v38;
	s25 =	smov.u32 s24;
	s24 =	sadd.s32 $0x40, s24  }
0xc5: {  	v38 =	vld [tilespmem:s0+$0x1F40];
	_ =	sdelay $0x2  }
0xc6: {  	v37 =	vld [tilespmem:s0+$0x640];
	_ =	sdelay $0x1  }
0xc7: {  	vm2 =	vgt.s32 v38, $0x5C2AAD7F;
	vm3 =	vlt.s32 v36, v38  }
.Ltmp9:
0xc8: {  	v36 =	vsel vm3, v36, v38;
	(pc) =	sbr.rel @p0 .LBB2_20-.Ltmp9, $4  }
0xc9: {  	_ = 	snop  }
0xca: {  	vm3 =	veq.s32 v37, $0x0  }
0xcb: {  	v38 =	vnsel vm3, $0x80000000, v38  }
0xcc: {  	vm3 =	vgt.s32 v35, v38  }
0xcd: {  	_ =	sdelay $0x4  }
0xce: {  	s0 =	sshra.s32 s25, $0x2;
	[tilespmem:v37+s17+$0x0] =	vst.idx.msk vm2, v8  }
0xcf: {  	v37 =	vld [tilespmem:s0+$0x1F40];
	_ =	sdelay $0x2  }
0xd0: {  	v39 =	vld [tilespmem:s0+$0x640];
	_ =	sdelay $0x1  }
0xd1: {  	vm2 =	vgt.s32 v37, $0x5C2AAD7F;
	_ =	sdelay $0x2  }
0xd2: {  	vm4 =	veq.s32 v39, $0x0  }
0xd3: {  	v35 =	vsel vm3, v35, v38;
	v63 =	vnsel vm4, $0x80000000, v37  }
0xd4: {  	vm3 =	vlt.s32 v36, v37;
	vm4 =	vgt.s32 v35, v63  }
0xd5: {  	s24 =	simm.s32 $0x0;
	v36 =	vsel vm3, v36, v37;
	v35 =	vsel vm4, v35, v63;
	[tilespmem:v39+s17+$0x0] =	vst.idx.msk vm2, v8  }
.LBB2_22:
0xd6: {  	p0 =	sne.s32 s23, $0xC40;
	v37 =	vld [tilespmem:s24+$0x1F40];
	_ =	sdelay $0x2  }
0xd7: {  	v38 =	vld [tilespmem:s24+$0x640];
	_ =	sdelay $0x1  }
0xd8: {  	vm2 =	vgt.s32 v37, $0x5D9539FF;
	_ =	sdelay $0x1  }
.Ltmp10:
0xd9: {  	(pc) =	sbr.rel @p0 .LBB2_22-.Ltmp10, $2  }
0xda: {  	_ =	sdelay $0x2  }
0xdb: {  	s24 =	sshra.s32 s23, $0x2;
	s23 =	sadd.s32 $0x40, s23;
	[tilespmem:v38+s17+$0x0] =	vst.idx.msk vm2, v9  }
0xdc: {  	v37 =	vld [tilespmem:s24+$0x1F40];
	_ =	sdelay $0x2  }
0xdd: {  	v38 =	vld [tilespmem:s24+$0x640];
	_ =	sdelay $0x1  }
0xde: {  	vm2 =	vgt.s32 v37, $0x5D9539FF;
	_ =	sdelay $0x5  }
0xdf: {  	s24 =	simm.s32 $0x0;
	s23 =	simm.s32 $0x40;
	[tilespmem:v38+s17+$0x0] =	vst.idx.msk vm2, v9  }
.LBB2_24:
0xe0: {  	p0 =	sne.s32 s23, $0xC40;
	v37 =	vld [tilespmem:s24+$0x1F40];
	_ =	sdelay $0x2  }
0xe1: {  	v38 =	vld [tilespmem:s24+$0x640];
	_ =	sdelay $0x1  }
0xe2: {  	vm2 =	vgt.s32 v37, $0x5DE453FF;
	_ =	sdelay $0x1  }
.Ltmp11:
0xe3: {  	(pc) =	sbr.rel @p0 .LBB2_24-.Ltmp11, $2  }
0xe4: {  	_ =	sdelay $0x2  }
0xe5: {  	s24 =	sshra.s32 s23, $0x2;
	s23 =	sadd.s32 $0x40, s23;
	[tilespmem:v38+s17+$0x0] =	vst.idx.msk vm2, v10  }
0xe6: {  	v37 =	vld [tilespmem:s24+$0x1F40];
	_ =	sdelay $0x2  }
0xe7: {  	v38 =	vld [tilespmem:s24+$0x640];
	_ =	sdelay $0x1  }
0xe8: {  	vm2 =	vgt.s32 v37, $0x5DE453FF;
	_ =	sdelay $0x5  }
0xe9: {  	s23 =	simm.s32 $0x0;
	s24 =	simm.s32 $0x40;
	[tilespmem:v38+s17+$0x0] =	vst.idx.msk vm2, v10  }
.LBB2_26:
0xea: {  	p0 =	sne.s32 s24, $0xC40;
	v37 =	vld [tilespmem:s23+$0x1F40];
	_ =	sdelay $0x2  }
0xeb: {  	v38 =	vld [tilespmem:s23+$0x640];
	_ =	sdelay $0x1  }
0xec: {  	vm2 =	vgt.s32 v37, $0x5E02A67F;
	_ =	sdelay $0x1  }
.Ltmp12:
0xed: {  	(pc) =	sbr.rel @p0 .LBB2_26-.Ltmp12, $2  }
0xee: {  	_ =	sdelay $0x2  }
0xef: {  	s23 =	sshra.s32 s24, $0x2;
	s24 =	sadd.s32 $0x40, s24;
	[tilespmem:v38+s17+$0x0] =	vst.idx.msk vm2, v11  }
0xf0: {  	v36 =	vxor.u32 $0x80000000, v36  }
0xf1: {  	(xrf0) =	vmin.scan.msk.u32 $0xffff, v36  }
0xf2: {  	v35 =	vxor.u32 $0x80000000, v35  }
0xf3: {  	(xrf0) =	vmax.scan.msk.u32 $0xffff, v35;
	_ =	sdelay $0x3  }
0xf4: {  	v59, _, _ =	vpop (xrf0)  }
0xf5: {  	(v2sf) =	vpush v59, $0xF  }
0xf6: {  	v60, _, _ =	vpop (xrf0)  }
0xf7: {  	(v2sf) =	vpush v60, $0xF;
	_ =	sdelay $0x4  }
0xf8: {  	v61 =	vld [tilespmem:s23+$0x1F40];
	_ =	sdelay $0x2  }
0xf9: {  	v62 =	vld [tilespmem:s23+$0x640];
	_ =	sdelay $0x1  }
0xfa: {  	vm2 =	vgt.s32 v61, $0x5E02A67F;
	_ =	sdelay $0x2  }
0xfb: {  	s0 =	spop (v2sf)  }
0xfc: {  	s0 =	sxor.u32 $0x80000000, s0  }
0xfd: {  	s1 =	spop (v2sf);
	v63 =	vmov s0  }
0xfe: {  	[tilespmem:v62+s17+$0x0] =	vst.idx.msk vm2, v11;
	s30 =	sxor.u32 $0x80000000, s1;
	v35 =	vnsel vm0, $0x0, v63  }
0xff: {  	[tilespmem:v33+s17+$0x0] =	vst.idx.msk $0x1, v32;
	v35 =	vsel vm1, s30, v35  }
0x100: {  	s31 =	simm.s32 $0x0;
	[tilespmem:$0x7220] =	vst v35  }
0x101: {  	[hbm4b:s7+s31] =	stream.linear.scatter [tilespmem:s17], [sflag:$0x1], $0x2000, $0x38;
	[tilespmem:$0x7280] =	vst v63  }
0x102: {  	_ =	swait.ge [sflag:s20], $0x2000  }
0x103: {  	[sflag:s20] =	ssyncset.done $0x0  }
0x104: {  	s24 =	simm.s32 $0x0;
	s23 =	simm.s32 $0x40;
	v36 =	vimm.s32 $0x7FFFFFFF;
	v35 =	vimm.s32 $0x80000000;
	[sflag:s20] =	ssyncadd.s32 $0xFFFFE000  }
.LBB2_28:
0x105: {  	p0 =	sne.s32 s23, $0xC40;
	v37 =	vld [tilespmem:s24+$0x2260]  }
0x106: {  	v38 =	vld [tilespmem:s24+$0x960];
	_ =	sdelay $0x3  }
0x107: {  	vm2 =	vgt.s32 v37, $0x5C2AAD7F;
	vm3 =	vlt.s32 v36, v37  }
0x108: {  	v39 =	vadd.s32 $0x2000, v38;
	v36 =	vsel vm3, v36, v37;
	vm3 =	veq.s32 v38, $0x0  }
.Ltmp13:
0x109: {  	v37 =	vnsel vm3, $0x80000000, v37;
	(pc) =	sbr.rel @p0 .LBB2_28-.Ltmp13, $3  }
0x10a: {  	vm3 =	vgt.s32 v35, v37  }
0x10b: {  	v35 =	vsel vm3, v35, v37;
	_ =	sdelay $0x1  }
0x10c: {  	s24 =	sshra.s32 s23, $0x2;
	s23 =	sadd.s32 $0x40, s23;
	[tilespmem:v39+s17+$0x0] =	vst.idx.msk vm2, v12  }
0x10d: {  	v37 =	vld [tilespmem:s24+$0x2260]  }
0x10e: {  	v38 =	vld [tilespmem:s24+$0x960];
	_ =	sdelay $0x3  }
0x10f: {  	vm2 =	vgt.s32 v37, $0x5C2AAD7F  }
0x110: {  	v39 =	vadd.s32 $0x2000, v38;
	_ =	sdelay $0x1  }
0x111: {  	vm3 =	veq.s32 v38, $0x0  }
0x112: {  	v38 =	vnsel vm3, $0x80000000, v37  }
0x113: {  	vm3 =	vlt.s32 v36, v37;
	vm4 =	vgt.s32 v35, v38  }
0x114: {  	s24 =	simm.s32 $0x0;
	s23 =	simm.s32 $0x40;
	v36 =	vsel vm3, v36, v37;
	v35 =	vsel vm4, v35, v38;
	[tilespmem:v39+s17+$0x0] =	vst.idx.msk vm2, v12  }
.LBB2_30:
0x115: {  	p0 =	sne.s32 s23, $0xC40;
	v37 =	vld [tilespmem:s24+$0x2260]  }
0x116: {  	v38 =	vld [tilespmem:s24+$0x960];
	_ =	sdelay $0x3  }
0x117: {  	vm2 =	vgt.s32 v37, $0x5D9539FF  }
0x118: {  	v37 =	vadd.s32 $0x2000, v38  }
.Ltmp14:
0x119: {  	(pc) =	sbr.rel @p0 .LBB2_30-.Ltmp14, $2  }
0x11a: {  	_ =	sdelay $0x2  }
0x11b: {  	s24 =	sshra.s32 s23, $0x2;
	s23 =	sadd.s32 $0x40, s23;
	[tilespmem:v37+s17+$0x0] =	vst.idx.msk vm2, v13  }
0x11c: {  	v37 =	vld [tilespmem:s24+$0x2260]  }
0x11d: {  	v38 =	vld [tilespmem:s24+$0x960];
	_ =	sdelay $0x3  }
0x11e: {  	vm2 =	vgt.s32 v37, $0x5D9539FF  }
0x11f: {  	v63 =	vadd.s32 $0x2000, v38;
	_ =	sdelay $0x4  }
0x120: {  	s24 =	simm.s32 $0x0;
	s23 =	simm.s32 $0x40;
	[tilespmem:v63+s17+$0x0] =	vst.idx.msk vm2, v13  }
.LBB2_32:
0x121: {  	p0 =	sne.s32 s23, $0xC40;
	v37 =	vld [tilespmem:s24+$0x2260]  }
0x122: {  	v38 =	vld [tilespmem:s24+$0x960];
	_ =	sdelay $0x3  }
0x123: {  	vm2 =	vgt.s32 v37, $0x5DE453FF  }
0x124: {  	v37 =	vadd.s32 $0x2000, v38  }
.Ltmp15:
0x125: {  	(pc) =	sbr.rel @p0 .LBB2_32-.Ltmp15, $2  }
0x126: {  	_ =	sdelay $0x2  }
0x127: {  	s24 =	sshra.s32 s23, $0x2;
	s23 =	sadd.s32 $0x40, s23;
	[tilespmem:v37+s17+$0x0] =	vst.idx.msk vm2, v14  }
0x128: {  	v37 =	vld [tilespmem:s24+$0x2260]  }
0x129: {  	v38 =	vld [tilespmem:s24+$0x960];
	_ =	sdelay $0x3  }
0x12a: {  	vm2 =	vgt.s32 v37, $0x5DE453FF  }
0x12b: {  	v63 =	vadd.s32 $0x2000, v38;
	_ =	sdelay $0x4  }
0x12c: {  	s24 =	simm.s32 $0x0;
	s23 =	simm.s32 $0x40;
	[tilespmem:v63+s17+$0x0] =	vst.idx.msk vm2, v14  }
.LBB2_34:
0x12d: {  	p0 =	sne.s32 s23, $0xC40;
	v37 =	vld [tilespmem:s24+$0x2260]  }
0x12e: {  	v38 =	vld [tilespmem:s24+$0x960];
	_ =	sdelay $0x3  }
0x12f: {  	vm2 =	vgt.s32 v37, $0x5E02A67F  }
0x130: {  	v37 =	vadd.s32 $0x2000, v38  }
.Ltmp16:
0x131: {  	(pc) =	sbr.rel @p0 .LBB2_34-.Ltmp16, $2  }
0x132: {  	_ =	sdelay $0x2  }
0x133: {  	s24 =	sshra.s32 s23, $0x2;
	s23 =	sadd.s32 $0x40, s23;
	[tilespmem:v37+s17+$0x0] =	vst.idx.msk vm2, v15  }
0x134: {  	v36 =	vxor.u32 $0x80000000, v36  }
0x135: {  	(xrf0) =	vmin.scan.msk.u32 $0xffff, v36  }
0x136: {  	v35 =	vxor.u32 $0x80000000, v35  }
0x137: {  	(xrf0) =	vmax.scan.msk.u32 $0xffff, v35;
	_ =	sdelay $0x3  }
0x138: {  	v56, _, _ =	vpop (xrf0)  }
0x139: {  	(v2sf) =	vpush v56, $0xF  }
0x13a: {  	v57, _, _ =	vpop (xrf0)  }
0x13b: {  	(v2sf) =	vpush v57, $0xF;
	_ =	sdelay $0x4  }
0x13c: {  	v58 =	vld [tilespmem:s24+$0x2260]  }
0x13d: {  	v59 =	vld [tilespmem:s24+$0x960];
	_ =	sdelay $0x3  }
0x13e: {  	vm2 =	vgt.s32 v58, $0x5E02A67F  }
0x13f: {  	v60 =	vadd.s32 $0x2000, v59;
	_ =	sdelay $0x1  }
0x140: {  	s0 =	spop (v2sf)  }
0x141: {  	s0 =	sxor.u32 $0x80000000, s0  }
0x142: {  	s1 =	spop (v2sf);
	v61 =	vmov s0  }
0x143: {  	[tilespmem:v60+s17+$0x0] =	vst.idx.msk vm2, v15;
	s30 =	sxor.u32 $0x80000000, s1;
	v62 =	vnsel vm0, $0x0, v61  }
0x144: {  	[tilespmem:v34+s17+$0x0] =	vst.idx.msk $0x1, v32;
	v35 =	vsel vm1, s30, v62  }
0x145: {  	s24 =	simm.s32 $0x0;
	[tilespmem:$0x7230] =	vst v35  }
0x146: {  	[hbm4b:s8+s24] =	stream.linear.scatter [tilespmem:s18], [sflag:$0x2], $0x2000, $0x38;
	[tilespmem:$0x7280] =	vst v63  }
0x147: {  	_ =	swait.ge [sflag:s19], $0x2000  }
0x148: {  	[sflag:s19] =	ssyncset.done $0x0  }
0x149: {  	s31 =	sand.u32 $0x3F0, s24;
	[sflag:s19] =	ssyncadd.s32 $0xFFFFE000  }
0x14a: {  	v37 =	vld [tilespmem:s31+$0xC80]  }
0x14b: {  	v63 =	vld [tilespmem:s31+$0x2580];
	_ =	sdelay $0x3  }
0x14c: {  	vm2 =	veq.s32 v37, $0x0  }
0x14d: {  	v38 =	vnsel vm2, $0x80000000, v63;
	vm2 =	vgt.s32 v63, $0x5C2AAD7F;
	_ =	sdelay $0x1  }
0x14e: {  	v39 =	vimm.s32 $0x7FFFFFFF  }
0x14f: {  	v35 =	vimm.s32 $0x80000000;
	vm3 =	vlt.s32 v39, v63  }
0x150: {  	s23 =	simm.s32 $0x10;
	s25 =	simm.s32 $0x20;
	s26 =	simm.s32 $0x10;
	v36 =	vsel vm3, v39, v63;
	vm3 =	vgt.s32 v35, v38  }
.LBB2_36:
0x151: {  	p0 =	sne.s32 s25, $0x310  }
0x152: {  	s0 =	sand.u32 $0x3F0, s26;
	[tilespmem:v37+s17+$0x0] =	vst.idx.msk vm2, v16;
	v35 =	vsel vm3, v35, v38;
	s26 =	smov.u32 s25;
	s25 =	sadd.s32 $0x10, s25  }
0x153: {  	v38 =	vld [tilespmem:s0+$0x2580];
	_ =	sdelay $0x2  }
0x154: {  	v37 =	vld [tilespmem:s0+$0xC80];
	_ =	sdelay $0x1  }
0x155: {  	vm2 =	vgt.s32 v38, $0x5C2AAD7F;
	vm3 =	vlt.s32 v36, v38  }
.Ltmp17:
0x156: {  	v36 =	vsel vm3, v36, v38;
	(pc) =	sbr.rel @p0 .LBB2_36-.Ltmp17, $4  }
0x157: {  	_ = 	snop  }
0x158: {  	vm3 =	veq.s32 v37, $0x0  }
0x159: {  	v38 =	vnsel vm3, $0x80000000, v38  }
0x15a: {  	vm3 =	vgt.s32 v35, v38  }
0x15b: {  	_ =	sdelay $0x4  }
0x15c: {  	s0 =	sand.u32 $0x3F0, s26;
	[tilespmem:v37+s17+$0x0] =	vst.idx.msk vm2, v16  }
0x15d: {  	v37 =	vld [tilespmem:s0+$0x2580];
	_ =	sdelay $0x2  }
0x15e: {  	v39 =	vld [tilespmem:s0+$0xC80];
	_ =	sdelay $0x1  }
0x15f: {  	vm2 =	vgt.s32 v37, $0x5C2AAD7F;
	_ =	sdelay $0x2  }
0x160: {  	vm4 =	veq.s32 v39, $0x0  }
0x161: {  	v35 =	vsel vm3, v35, v38;
	v63 =	vnsel vm4, $0x80000000, v37  }
0x162: {  	vm3 =	vlt.s32 v36, v37;
	vm4 =	vgt.s32 v35, v63  }
0x163: {  	s24 =	sand.u32 $0x3F0, s24;
	v36 =	vsel vm3, v36, v37;
	v35 =	vsel vm4, v35, v63;
	[tilespmem:v39+s17+$0x0] =	vst.idx.msk vm2, v16  }
.LBB2_38:
0x164: {  	p0 =	sne.s32 s23, $0x310;
	v37 =	vld [tilespmem:s24+$0x2580];
	_ =	sdelay $0x2  }
0x165: {  	v38 =	vld [tilespmem:s24+$0xC80];
	_ =	sdelay $0x1  }
0x166: {  	vm2 =	vgt.s32 v37, $0x5D9539FF;
	_ =	sdelay $0x1  }
.Ltmp18:
0x167: {  	(pc) =	sbr.rel @p0 .LBB2_38-.Ltmp18, $2  }
0x168: {  	_ =	sdelay $0x2  }
0x169: {  	s24 =	sand.u32 $0x3F0, s23;
	s23 =	sadd.s32 $0x10, s23;
	[tilespmem:v38+s17+$0x0] =	vst.idx.msk vm2, v17  }
0x16a: {  	v37 =	vld [tilespmem:s24+$0x2580];
	_ =	sdelay $0x2  }
0x16b: {  	v38 =	vld [tilespmem:s24+$0xC80];
	_ =	sdelay $0x1  }
0x16c: {  	vm2 =	vgt.s32 v37, $0x5D9539FF;
	_ =	sdelay $0x4  }
0x16d: {  	s23 =	simm.s32 $0x0  }
0x16e: {  	s24 =	simm.s32 $0x10;
	s25 =	sand.u32 $0x3F0, s23;
	[tilespmem:v38+s17+$0x0] =	vst.idx.msk vm2, v17  }
.LBB2_40:
0x16f: {  	p0 =	sne.s32 s24, $0x310;
	v37 =	vld [tilespmem:s25+$0x2580];
	_ =	sdelay $0x2  }
0x170: {  	v38 =	vld [tilespmem:s25+$0xC80];
	_ =	sdelay $0x1  }
0x171: {  	vm2 =	vgt.s32 v37, $0x5DE453FF;
	_ =	sdelay $0x1  }
.Ltmp19:
0x172: {  	(pc) =	sbr.rel @p0 .LBB2_40-.Ltmp19, $2  }
0x173: {  	_ =	sdelay $0x2  }
0x174: {  	s25 =	sand.u32 $0x3F0, s24;
	s24 =	sadd.s32 $0x10, s24;
	[tilespmem:v38+s17+$0x0] =	vst.idx.msk vm2, v18  }
0x175: {  	v37 =	vld [tilespmem:s25+$0x2580];
	_ =	sdelay $0x2  }
0x176: {  	v38 =	vld [tilespmem:s25+$0xC80];
	_ =	sdelay $0x1  }
0x177: {  	vm2 =	vgt.s32 v37, $0x5DE453FF;
	_ =	sdelay $0x5  }
0x178: {  	s23 =	sand.u32 $0x3F0, s23;
	s24 =	simm.s32 $0x10;
	[tilespmem:v38+s17+$0x0] =	vst.idx.msk vm2, v18  }
.LBB2_42:
0x179: {  	p0 =	sne.s32 s24, $0x310;
	v37 =	vld [tilespmem:s23+$0x2580];
	_ =	sdelay $0x2  }
0x17a: {  	v38 =	vld [tilespmem:s23+$0xC80];
	_ =	sdelay $0x1  }
0x17b: {  	vm2 =	vgt.s32 v37, $0x5E02A67F;
	_ =	sdelay $0x1  }
.Ltmp20:
0x17c: {  	(pc) =	sbr.rel @p0 .LBB2_42-.Ltmp20, $2  }
0x17d: {  	_ =	sdelay $0x2  }
0x17e: {  	s23 =	sand.u32 $0x3F0, s24;
	s24 =	sadd.s32 $0x10, s24;
	[tilespmem:v38+s17+$0x0] =	vst.idx.msk vm2, v19  }
0x17f: {  	v36 =	vxor.u32 $0x80000000, v36  }
0x180: {  	(xrf0) =	vmin.scan.msk.u32 $0xffff, v36  }
0x181: {  	v35 =	vxor.u32 $0x80000000, v35  }
0x182: {  	(xrf0) =	vmax.scan.msk.u32 $0xffff, v35;
	_ =	sdelay $0x3  }
0x183: {  	v59, _, _ =	vpop (xrf0)  }
0x184: {  	(v2sf) =	vpush v59, $0xF  }
0x185: {  	v60, _, _ =	vpop (xrf0)  }
0x186: {  	(v2sf) =	vpush v60, $0xF;
	_ =	sdelay $0x4  }
0x187: {  	v61 =	vld [tilespmem:s23+$0x2580];
	_ =	sdelay $0x2  }
0x188: {  	v62 =	vld [tilespmem:s23+$0xC80];
	_ =	sdelay $0x1  }
0x189: {  	vm2 =	vgt.s32 v61, $0x5E02A67F;
	_ =	sdelay $0x2  }
0x18a: {  	s0 =	spop (v2sf)  }
0x18b: {  	s0 =	sxor.u32 $0x80000000, s0  }
0x18c: {  	s1 =	spop (v2sf);
	v63 =	vmov s0  }
0x18d: {  	[tilespmem:v62+s17+$0x0] =	vst.idx.msk vm2, v19;
	s30 =	sxor.u32 $0x80000000, s1;
	v35 =	vnsel vm0, $0x0, v63  }
0x18e: {  	[tilespmem:v33+s17+$0x0] =	vst.idx.msk $0x1, v32;
	v35 =	vsel vm1, s30, v35  }
0x18f: {  	s31 =	simm.s32 $0x0;
	[tilespmem:$0x7240] =	vst v35  }
0x190: {  	[hbm4b:s9+s31] =	stream.linear.scatter [tilespmem:s17], [sflag:$0x1], $0x2000, $0x38;
	[tilespmem:$0x7280] =	vst v63  }
0x191: {  	_ =	swait.ge [sflag:s20], $0x2000  }
0x192: {  	[sflag:s20] =	ssyncset.done $0x0  }
0x193: {  	s24 =	simm.s32 $0x0;
	s23 =	simm.s32 $0x40;
	v36 =	vimm.s32 $0x7FFFFFFF;
	v35 =	vimm.s32 $0x80000000;
	[sflag:s20] =	ssyncadd.s32 $0xFFFFE000  }
.LBB2_44:
0x194: {  	p0 =	sne.s32 s23, $0xC40;
	v37 =	vld [tilespmem:s24+$0x28A0]  }
0x195: {  	v38 =	vld [tilespmem:s24+$0xFA0];
	_ =	sdelay $0x3  }
0x196: {  	vm2 =	vgt.s32 v37, $0x5C2AAD7F;
	vm3 =	vlt.s32 v36, v37  }
0x197: {  	v39 =	vadd.s32 $0x2000, v38;
	v36 =	vsel vm3, v36, v37;
	vm3 =	veq.s32 v38, $0x0  }
.Ltmp21:
0x198: {  	v37 =	vnsel vm3, $0x80000000, v37;
	(pc) =	sbr.rel @p0 .LBB2_44-.Ltmp21, $3  }
0x199: {  	vm3 =	vgt.s32 v35, v37  }
0x19a: {  	v35 =	vsel vm3, v35, v37;
	_ =	sdelay $0x1  }
0x19b: {  	s24 =	sshra.s32 s23, $0x2;
	s23 =	sadd.s32 $0x40, s23;
	[tilespmem:v39+s17+$0x0] =	vst.idx.msk vm2, v20  }
0x19c: {  	v37 =	vld [tilespmem:s24+$0x28A0]  }
0x19d: {  	v38 =	vld [tilespmem:s24+$0xFA0];
	_ =	sdelay $0x3  }
0x19e: {  	vm2 =	vgt.s32 v37, $0x5C2AAD7F  }
0x19f: {  	v39 =	vadd.s32 $0x2000, v38;
	_ =	sdelay $0x1  }
0x1a0: {  	vm3 =	veq.s32 v38, $0x0  }
0x1a1: {  	v38 =	vnsel vm3, $0x80000000, v37  }
0x1a2: {  	vm3 =	vlt.s32 v36, v37;
	vm4 =	vgt.s32 v35, v38  }
0x1a3: {  	s24 =	simm.s32 $0x0;
	s23 =	simm.s32 $0x40;
	v36 =	vsel vm3, v36, v37;
	v35 =	vsel vm4, v35, v38;
	[tilespmem:v39+s17+$0x0] =	vst.idx.msk vm2, v20  }
.LBB2_46:
0x1a4: {  	p0 =	sne.s32 s23, $0xC40;
	v37 =	vld [tilespmem:s24+$0x28A0]  }
0x1a5: {  	v38 =	vld [tilespmem:s24+$0xFA0];
	_ =	sdelay $0x3  }
0x1a6: {  	vm2 =	vgt.s32 v37, $0x5D9539FF  }
0x1a7: {  	v37 =	vadd.s32 $0x2000, v38  }
.Ltmp22:
0x1a8: {  	(pc) =	sbr.rel @p0 .LBB2_46-.Ltmp22, $2  }
0x1a9: {  	_ =	sdelay $0x2  }
0x1aa: {  	s24 =	sshra.s32 s23, $0x2;
	s23 =	sadd.s32 $0x40, s23;
	[tilespmem:v37+s17+$0x0] =	vst.idx.msk vm2, v21  }
0x1ab: {  	v37 =	vld [tilespmem:s24+$0x28A0]  }
0x1ac: {  	v38 =	vld [tilespmem:s24+$0xFA0];
	_ =	sdelay $0x3  }
0x1ad: {  	vm2 =	vgt.s32 v37, $0x5D9539FF  }
0x1ae: {  	v63 =	vadd.s32 $0x2000, v38;
	_ =	sdelay $0x4  }
0x1af: {  	s24 =	simm.s32 $0x0;
	s23 =	simm.s32 $0x40;
	[tilespmem:v63+s17+$0x0] =	vst.idx.msk vm2, v21  }
.LBB2_48:
0x1b0: {  	p0 =	sne.s32 s23, $0xC40;
	v37 =	vld [tilespmem:s24+$0x28A0]  }
0x1b1: {  	v38 =	vld [tilespmem:s24+$0xFA0];
	_ =	sdelay $0x3  }
0x1b2: {  	vm2 =	vgt.s32 v37, $0x5DE453FF  }
0x1b3: {  	v37 =	vadd.s32 $0x2000, v38  }
.Ltmp23:
0x1b4: {  	(pc) =	sbr.rel @p0 .LBB2_48-.Ltmp23, $2  }
0x1b5: {  	_ =	sdelay $0x2  }
0x1b6: {  	s24 =	sshra.s32 s23, $0x2;
	s23 =	sadd.s32 $0x40, s23;
	[tilespmem:v37+s17+$0x0] =	vst.idx.msk vm2, v22  }
0x1b7: {  	v37 =	vld [tilespmem:s24+$0x28A0]  }
0x1b8: {  	v38 =	vld [tilespmem:s24+$0xFA0];
	_ =	sdelay $0x3  }
0x1b9: {  	vm2 =	vgt.s32 v37, $0x5DE453FF  }
0x1ba: {  	v63 =	vadd.s32 $0x2000, v38;
	_ =	sdelay $0x4  }
0x1bb: {  	s24 =	simm.s32 $0x0;
	s23 =	simm.s32 $0x40;
	[tilespmem:v63+s17+$0x0] =	vst.idx.msk vm2, v22  }
.LBB2_50:
0x1bc: {  	p0 =	sne.s32 s23, $0xC40;
	v37 =	vld [tilespmem:s24+$0x28A0]  }
0x1bd: {  	v38 =	vld [tilespmem:s24+$0xFA0];
	_ =	sdelay $0x3  }
0x1be: {  	vm2 =	vgt.s32 v37, $0x5E02A67F  }
0x1bf: {  	v37 =	vadd.s32 $0x2000, v38  }
.Ltmp24:
0x1c0: {  	(pc) =	sbr.rel @p0 .LBB2_50-.Ltmp24, $2  }
0x1c1: {  	_ =	sdelay $0x2  }
0x1c2: {  	s24 =	sshra.s32 s23, $0x2;
	s23 =	sadd.s32 $0x40, s23;
	[tilespmem:v37+s17+$0x0] =	vst.idx.msk vm2, v23  }
0x1c3: {  	v36 =	vxor.u32 $0x80000000, v36  }
0x1c4: {  	(xrf0) =	vmin.scan.msk.u32 $0xffff, v36  }
0x1c5: {  	v35 =	vxor.u32 $0x80000000, v35  }
0x1c6: {  	(xrf0) =	vmax.scan.msk.u32 $0xffff, v35;
	_ =	sdelay $0x3  }
0x1c7: {  	v56, _, _ =	vpop (xrf0)  }
0x1c8: {  	(v2sf) =	vpush v56, $0xF  }
0x1c9: {  	v57, _, _ =	vpop (xrf0)  }
0x1ca: {  	(v2sf) =	vpush v57, $0xF;
	_ =	sdelay $0x4  }
0x1cb: {  	v58 =	vld [tilespmem:s24+$0x28A0]  }
0x1cc: {  	v59 =	vld [tilespmem:s24+$0xFA0];
	_ =	sdelay $0x3  }
0x1cd: {  	vm2 =	vgt.s32 v58, $0x5E02A67F  }
0x1ce: {  	v60 =	vadd.s32 $0x2000, v59;
	_ =	sdelay $0x1  }
0x1cf: {  	s0 =	spop (v2sf)  }
0x1d0: {  	s0 =	sxor.u32 $0x80000000, s0  }
0x1d1: {  	s1 =	spop (v2sf);
	v61 =	vmov s0  }
0x1d2: {  	[tilespmem:v60+s17+$0x0] =	vst.idx.msk vm2, v23;
	s29 =	sxor.u32 $0x80000000, s1;
	v62 =	vnsel vm0, $0x0, v61  }
0x1d3: {  	[tilespmem:v34+s17+$0x0] =	vst.idx.msk $0x1, v32;
	v35 =	vsel vm1, s29, v62  }
0x1d4: {  	s30 =	simm.s32 $0x0;
	[tilespmem:$0x7250] =	vst v35  }
0x1d5: {  	[hbm4b:s10+s30] =	stream.linear.scatter [tilespmem:s18], [sflag:$0x2], $0x2000, $0x38;
	[tilespmem:$0x7280] =	vst v63  }
0x1d6: {  	_ =	swait.ge [sflag:s19], $0x2000  }
0x1d7: {  	[sflag:s19] =	ssyncset.done $0x0  }
0x1d8: {  	s31 =	simm.s32 $0x0;
	[sflag:s19] =	ssyncadd.s32 $0xFFFFE000  }
0x1d9: {  	v37 =	vld [tilespmem:s31+$0x12C0]  }
0x1da: {  	v63 =	vld [tilespmem:s31+$0x2BC0];
	_ =	sdelay $0x3  }
0x1db: {  	vm2 =	veq.s32 v37, $0x0  }
0x1dc: {  	v38 =	vnsel vm2, $0x80000000, v63;
	vm2 =	vgt.s32 v63, $0x5C2AAD7F;
	_ =	sdelay $0x1  }
0x1dd: {  	v39 =	vimm.s32 $0x7FFFFFFF  }
0x1de: {  	v35 =	vimm.s32 $0x80000000;
	vm3 =	vlt.s32 v39, v63  }
0x1df: {  	s23 =	simm.s32 $0x40;
	s24 =	simm.s32 $0x80;
	s25 =	simm.s32 $0x40;
	v36 =	vsel vm3, v39, v63;
	vm3 =	vgt.s32 v35, v38  }
.LBB2_52:
0x1e0: {  	p0 =	sne.s32 s24, $0xC40  }
0x1e1: {  	s0 =	sshra.s32 s25, $0x2;
	[tilespmem:v37+s17+$0x0] =	vst.idx.msk vm2, v24;
	v35 =	vsel vm3, v35, v38;
	s25 =	smov.u32 s24;
	s24 =	sadd.s32 $0x40, s24  }
0x1e2: {  	v38 =	vld [tilespmem:s0+$0x2BC0];
	_ =	sdelay $0x2  }
0x1e3: {  	v37 =	vld [tilespmem:s0+$0x12C0];
	_ =	sdelay $0x1  }
0x1e4: {  	vm2 =	vgt.s32 v38, $0x5C2AAD7F;
	vm3 =	vlt.s32 v36, v38  }
.Ltmp25:
0x1e5: {  	v36 =	vsel vm3, v36, v38;
	(pc) =	sbr.rel @p0 .LBB2_52-.Ltmp25, $4  }
0x1e6: {  	_ = 	snop  }
0x1e7: {  	vm3 =	veq.s32 v37, $0x0  }
0x1e8: {  	v38 =	vnsel vm3, $0x80000000, v38  }
0x1e9: {  	vm3 =	vgt.s32 v35, v38  }
0x1ea: {  	_ =	sdelay $0x4  }
0x1eb: {  	s0 =	sshra.s32 s25, $0x2;
	[tilespmem:v37+s17+$0x0] =	vst.idx.msk vm2, v24  }
0x1ec: {  	v37 =	vld [tilespmem:s0+$0x2BC0];
	_ =	sdelay $0x2  }
0x1ed: {  	v39 =	vld [tilespmem:s0+$0x12C0];
	_ =	sdelay $0x1  }
0x1ee: {  	vm2 =	vgt.s32 v37, $0x5C2AAD7F;
	_ =	sdelay $0x2  }
0x1ef: {  	vm4 =	veq.s32 v39, $0x0  }
0x1f0: {  	v35 =	vsel vm3, v35, v38;
	v63 =	vnsel vm4, $0x80000000, v37  }
0x1f1: {  	vm3 =	vlt.s32 v36, v37;
	vm4 =	vgt.s32 v35, v63  }
0x1f2: {  	s24 =	simm.s32 $0x0;
	v36 =	vsel vm3, v36, v37;
	v35 =	vsel vm4, v35, v63;
	[tilespmem:v39+s17+$0x0] =	vst.idx.msk vm2, v24  }
.LBB2_54:
0x1f3: {  	p0 =	sne.s32 s23, $0xC40;
	v37 =	vld [tilespmem:s24+$0x2BC0];
	_ =	sdelay $0x2  }
0x1f4: {  	v38 =	vld [tilespmem:s24+$0x12C0];
	_ =	sdelay $0x1  }
0x1f5: {  	vm2 =	vgt.s32 v37, $0x5D9539FF;
	_ =	sdelay $0x1  }
.Ltmp26:
0x1f6: {  	(pc) =	sbr.rel @p0 .LBB2_54-.Ltmp26, $2  }
0x1f7: {  	_ =	sdelay $0x2  }
0x1f8: {  	s24 =	sshra.s32 s23, $0x2;
	s23 =	sadd.s32 $0x40, s23;
	[tilespmem:v38+s17+$0x0] =	vst.idx.msk vm2, v25  }
0x1f9: {  	v37 =	vld [tilespmem:s24+$0x2BC0];
	_ =	sdelay $0x2  }
0x1fa: {  	v38 =	vld [tilespmem:s24+$0x12C0];
	_ =	sdelay $0x1  }
0x1fb: {  	vm2 =	vgt.s32 v37, $0x5D9539FF;
	_ =	sdelay $0x5  }
0x1fc: {  	s24 =	simm.s32 $0x0;
	s23 =	simm.s32 $0x40;
	[tilespmem:v38+s17+$0x0] =	vst.idx.msk vm2, v25  }
.LBB2_56:
0x1fd: {  	p0 =	sne.s32 s23, $0xC40;
	v37 =	vld [tilespmem:s24+$0x2BC0];
	_ =	sdelay $0x2  }
0x1fe: {  	v38 =	vld [tilespmem:s24+$0x12C0];
	_ =	sdelay $0x1  }
0x1ff: {  	vm2 =	vgt.s32 v37, $0x5DE453FF;
	_ =	sdelay $0x1  }
.Ltmp27:
0x200: {  	(pc) =	sbr.rel @p0 .LBB2_56-.Ltmp27, $2  }
0x201: {  	_ =	sdelay $0x2  }
0x202: {  	s24 =	sshra.s32 s23, $0x2;
	s23 =	sadd.s32 $0x40, s23;
	[tilespmem:v38+s17+$0x0] =	vst.idx.msk vm2, v26  }
0x203: {  	v37 =	vld [tilespmem:s24+$0x2BC0];
	_ =	sdelay $0x2  }
0x204: {  	v38 =	vld [tilespmem:s24+$0x12C0];
	_ =	sdelay $0x1  }
0x205: {  	vm2 =	vgt.s32 v37, $0x5DE453FF;
	_ =	sdelay $0x5  }
0x206: {  	s23 =	simm.s32 $0x0;
	s24 =	simm.s32 $0x40;
	[tilespmem:v38+s17+$0x0] =	vst.idx.msk vm2, v26  }
.LBB2_58:
0x207: {  	p0 =	sne.s32 s24, $0xC40;
	v37 =	vld [tilespmem:s23+$0x2BC0];
	_ =	sdelay $0x2  }
0x208: {  	v38 =	vld [tilespmem:s23+$0x12C0];
	_ =	sdelay $0x1  }
0x209: {  	vm2 =	vgt.s32 v37, $0x5E02A67F;
	_ =	sdelay $0x1  }
.Ltmp28:
0x20a: {  	(pc) =	sbr.rel @p0 .LBB2_58-.Ltmp28, $2  }
0x20b: {  	_ =	sdelay $0x2  }
0x20c: {  	s23 =	sshra.s32 s24, $0x2;
	s24 =	sadd.s32 $0x40, s24;
	[tilespmem:v38+s17+$0x0] =	vst.idx.msk vm2, v27  }
0x20d: {  	v36 =	vxor.u32 $0x80000000, v36  }
0x20e: {  	(xrf0) =	vmin.scan.msk.u32 $0xffff, v36  }
0x20f: {  	v35 =	vxor.u32 $0x80000000, v35  }
0x210: {  	(xrf0) =	vmax.scan.msk.u32 $0xffff, v35;
	_ =	sdelay $0x3  }
0x211: {  	v59, _, _ =	vpop (xrf0)  }
0x212: {  	(v2sf) =	vpush v59, $0xF  }
0x213: {  	v60, _, _ =	vpop (xrf0)  }
0x214: {  	(v2sf) =	vpush v60, $0xF;
	_ =	sdelay $0x4  }
0x215: {  	v61 =	vld [tilespmem:s23+$0x2BC0];
	_ =	sdelay $0x2  }
0x216: {  	v62 =	vld [tilespmem:s23+$0x12C0];
	_ =	sdelay $0x1  }
0x217: {  	vm2 =	vgt.s32 v61, $0x5E02A67F;
	_ =	sdelay $0x2  }
0x218: {  	s0 =	spop (v2sf)  }
0x219: {  	s0 =	sxor.u32 $0x80000000, s0  }
0x21a: {  	s1 =	spop (v2sf);
	v63 =	vmov s0  }
0x21b: {  	[tilespmem:v62+s17+$0x0] =	vst.idx.msk vm2, v27;
	s30 =	sxor.u32 $0x80000000, s1;
	v35 =	vnsel vm0, $0x0, v63  }
0x21c: {  	[tilespmem:v33+s17+$0x0] =	vst.idx.msk $0x1, v32;
	v35 =	vsel vm1, s30, v35  }
0x21d: {  	s31 =	simm.s32 $0x0;
	[tilespmem:$0x7260] =	vst v35  }
0x21e: {  	[hbm4b:s11+s31] =	stream.linear.scatter [tilespmem:s17], [sflag:$0x1], $0x2000, $0x38;
	[tilespmem:$0x7280] =	vst v63  }
0x21f: {  	_ =	swait.ge [sflag:s20], $0x2000  }
0x220: {  	[sflag:s20] =	ssyncset.done $0x0  }
0x221: {  	s24 =	simm.s32 $0x0;
	s23 =	simm.s32 $0x40;
	v36 =	vimm.s32 $0x7FFFFFFF;
	v35 =	vimm.s32 $0x80000000;
	[sflag:s20] =	ssyncadd.s32 $0xFFFFE000  }
.LBB2_60:
0x222: {  	p0 =	sne.s32 s23, $0xC40;
	v37 =	vld [tilespmem:s24+$0x2EE0]  }
0x223: {  	v38 =	vld [tilespmem:s24+$0x15E0];
	_ =	sdelay $0x3  }
0x224: {  	vm2 =	vgt.s32 v37, $0x5C2AAD7F;
	vm3 =	vlt.s32 v36, v37  }
0x225: {  	v39 =	vadd.s32 $0x2000, v38;
	v36 =	vsel vm3, v36, v37;
	vm3 =	veq.s32 v38, $0x0  }
.Ltmp29:
0x226: {  	v37 =	vnsel vm3, $0x80000000, v37;
	(pc) =	sbr.rel @p0 .LBB2_60-.Ltmp29, $3  }
0x227: {  	vm3 =	vgt.s32 v35, v37  }
0x228: {  	v35 =	vsel vm3, v35, v37;
	_ =	sdelay $0x1  }
0x229: {  	s24 =	sshra.s32 s23, $0x2;
	s23 =	sadd.s32 $0x40, s23;
	[tilespmem:v39+s17+$0x0] =	vst.idx.msk vm2, v28  }
0x22a: {  	v37 =	vld [tilespmem:s24+$0x2EE0]  }
0x22b: {  	v38 =	vld [tilespmem:s24+$0x15E0];
	_ =	sdelay $0x3  }
0x22c: {  	vm2 =	vgt.s32 v37, $0x5C2AAD7F  }
0x22d: {  	v39 =	vadd.s32 $0x2000, v38;
	_ =	sdelay $0x1  }
0x22e: {  	vm3 =	veq.s32 v38, $0x0  }
0x22f: {  	v38 =	vnsel vm3, $0x80000000, v37  }
0x230: {  	vm3 =	vlt.s32 v36, v37;
	vm4 =	vgt.s32 v35, v38  }
0x231: {  	s24 =	simm.s32 $0x0;
	s23 =	simm.s32 $0x40;
	v36 =	vsel vm3, v36, v37;
	v35 =	vsel vm4, v35, v38;
	[tilespmem:v39+s17+$0x0] =	vst.idx.msk vm2, v28  }
.LBB2_62:
0x232: {  	p0 =	sne.s32 s23, $0xC40;
	v37 =	vld [tilespmem:s24+$0x2EE0]  }
0x233: {  	v38 =	vld [tilespmem:s24+$0x15E0];
	_ =	sdelay $0x3  }
0x234: {  	vm2 =	vgt.s32 v37, $0x5D9539FF  }
0x235: {  	v37 =	vadd.s32 $0x2000, v38  }
.Ltmp30:
0x236: {  	(pc) =	sbr.rel @p0 .LBB2_62-.Ltmp30, $2  }
0x237: {  	_ =	sdelay $0x2  }
0x238: {  	s24 =	sshra.s32 s23, $0x2;
	s23 =	sadd.s32 $0x40, s23;
	[tilespmem:v37+s17+$0x0] =	vst.idx.msk vm2, v29  }
0x239: {  	v37 =	vld [tilespmem:s24+$0x2EE0]  }
0x23a: {  	v38 =	vld [tilespmem:s24+$0x15E0];
	_ =	sdelay $0x3  }
0x23b: {  	vm2 =	vgt.s32 v37, $0x5D9539FF  }
0x23c: {  	v63 =	vadd.s32 $0x2000, v38;
	_ =	sdelay $0x4  }
0x23d: {  	s24 =	simm.s32 $0x0;
	s23 =	simm.s32 $0x40;
	[tilespmem:v63+s17+$0x0] =	vst.idx.msk vm2, v29  }
.LBB2_64:
0x23e: {  	p0 =	sne.s32 s23, $0xC40;
	v37 =	vld [tilespmem:s24+$0x2EE0]  }
0x23f: {  	v38 =	vld [tilespmem:s24+$0x15E0];
	_ =	sdelay $0x3  }
0x240: {  	vm2 =	vgt.s32 v37, $0x5DE453FF  }
0x241: {  	v37 =	vadd.s32 $0x2000, v38  }
.Ltmp31:
0x242: {  	(pc) =	sbr.rel @p0 .LBB2_64-.Ltmp31, $2  }
0x243: {  	_ =	sdelay $0x2  }
0x244: {  	s24 =	sshra.s32 s23, $0x2;
	s23 =	sadd.s32 $0x40, s23;
	[tilespmem:v37+s17+$0x0] =	vst.idx.msk vm2, v30  }
0x245: {  	v37 =	vld [tilespmem:s24+$0x2EE0]  }
0x246: {  	v38 =	vld [tilespmem:s24+$0x15E0];
	_ =	sdelay $0x3  }
0x247: {  	vm2 =	vgt.s32 v37, $0x5DE453FF  }
0x248: {  	v63 =	vadd.s32 $0x2000, v38;
	_ =	sdelay $0x4  }
0x249: {  	s24 =	simm.s32 $0x0;
	s23 =	simm.s32 $0x40;
	[tilespmem:v63+s17+$0x0] =	vst.idx.msk vm2, v30  }
.LBB2_66:
0x24a: {  	p0 =	sne.s32 s23, $0xC40;
	v37 =	vld [tilespmem:s24+$0x2EE0]  }
0x24b: {  	v38 =	vld [tilespmem:s24+$0x15E0];
	_ =	sdelay $0x3  }
0x24c: {  	vm2 =	vgt.s32 v37, $0x5E02A67F  }
0x24d: {  	v37 =	vadd.s32 $0x2000, v38  }
.Ltmp32:
0x24e: {  	(pc) =	sbr.rel @p0 .LBB2_66-.Ltmp32, $2  }
0x24f: {  	_ =	sdelay $0x2  }
0x250: {  	s24 =	sshra.s32 s23, $0x2;
	s23 =	sadd.s32 $0x40, s23;
	[tilespmem:v37+s17+$0x0] =	vst.idx.msk vm2, v31  }
0x251: {  	v36 =	vxor.u32 $0x80000000, v36  }
0x252: {  	(xrf0) =	vmin.scan.msk.u32 $0xffff, v36  }
0x253: {  	v35 =	vxor.u32 $0x80000000, v35  }
0x254: {  	(xrf0) =	vmax.scan.msk.u32 $0xffff, v35;
	_ =	sdelay $0x3  }
0x255: {  	v57, _, _ =	vpop (xrf0)  }
0x256: {  	(v2sf) =	vpush v57, $0xF  }
0x257: {  	v58, _, _ =	vpop (xrf0)  }
0x258: {  	(v2sf) =	vpush v58, $0xF;
	_ =	sdelay $0x4  }
0x259: {  	v59 =	vld [tilespmem:s24+$0x2EE0]  }
0x25a: {  	v60 =	vld [tilespmem:s24+$0x15E0];
	_ =	sdelay $0x3  }
0x25b: {  	vm2 =	vgt.s32 v59, $0x5E02A67F  }
0x25c: {  	v61 =	vadd.s32 $0x2000, v60;
	_ =	sdelay $0x1  }
0x25d: {  	s0 =	spop (v2sf)  }
0x25e: {  	s0 =	sxor.u32 $0x80000000, s0  }
0x25f: {  	s1 =	spop (v2sf);
	v62 =	vmov s0  }
0x260: {  	[tilespmem:v61+s17+$0x0] =	vst.idx.msk vm2, v31;
	s31 =	sxor.u32 $0x80000000, s1;
	v63 =	vnsel vm0, $0x0, v62  }
0x261: {  	[tilespmem:v34+s17+$0x0] =	vst.idx.msk $0x1, v32;
	v35 =	vsel vm1, s31, v63  }
0x262: {  	[tilespmem:$0x7270] =	vst v35  }
0x263: {  	[hbm4b:s12+s2] =	stream.linear.scatter [tilespmem:s18], [sflag:$0x2], $0x2000, $0x38;
	[tilespmem:$0x7280] =	vst v63  }
0x264: {  	_ =	swait.ge [sflag:s19], $0x2000  }
0x265: {  	[sflag:s19] =	ssyncset.done $0x0  }
0x266: {  	[sflag:s19] =	ssyncadd.s32 $0xFFFFE000  }
0x267: {  	s22 =	sadd.s32 $0x1, s22;
	_ =	swait.ge [sflag:s20], $0x2000  }
0x268: {  	p0 =	sne.s32 s22, s14;
	[sflag:s20] =	ssyncset.done $0x0  }
.Ltmp33:
0x269: {  	[sflag:s20] =	ssyncadd.s32 $0xFFFFE000;
	(pc) =	sbr.rel @p0 .LBB2_1-.Ltmp33, $4  }
0x26a: {  	[hbm4b:s13+s2] =	stream.linear.scatter [tilespmem:s21], [sflag:$0x3], $0x80, $0x38;
	[tilespmem:$0x7280] =	vst v63  }
0x26b: {  	_ =	swait.ge [sflag:s15], $0x80  }
0x26c: {  	[sflag:s15] =	ssyncset.done $0x0  }
0x26d: {  	[sflag:s15] =	ssyncadd.s32 $0xFFFFFF80  }
0x26e: {  	_ =	sfence.sel $0x180000  }
0x26f: {  	[bflag:$0x0] =	sbarrier.arrive $0xFFFF  }
0x270: {  	_ =	strace $0x90000047  }
0x271: {  	s0 =	stileid.u32;
	[bflag:$0x2] =	sbarrier.arrive $0xFFFF  }
0x272: {  	p0 =	sne.s32 s0, $0x0;
	s0 =	rddreg [dreg:$0x1]  }
0x273: {  	s0 =	sadd.s32 @!p0 $0x100000, s0  }
0x274: {  	[sflag:s0] =	ssyncadd.tile.s32 @!p0 $0x1;
	_ =	shalt  }
.Lfunc_end2:
_tile_overlayer_lowered:
.L_overlay_start_2:
0x275: {  	(tag) =	ssettag $0x2  }
0x276: {  	s0 =	rddreg [dreg:$0x0];
	s2 =	stileid.u32  }
0x277: {  	s1 =	rddreg [dreg:$0x1];
	p0 =	sne.s32 s2, $0x0  }
0x278: {  	s3 =	rddreg [dreg:$0x2];
	[bflag:$0x3] =	sbarrier.arrive $0xFFFF;
	s2 =	simm.s32 @!p0 $0x1C03  }
0x279: {  	[timem:s3], [sflag:s2] =	dma.local @!p0 [hbm:s0], s1  }
0x27a: {  	s0 =	simm.s32 @!p0 $0x3  }
0x27b: {  	_ =	swait.ge @!p0 [sflag:s0], s1  }
0x27c: {  	s1 =	ssub.s32 @!p0 $0x0, s1;
	[sflag:s0] =	ssyncset.done @!p0 $0x0  }
0x27d: {  	[sflag:s0] =	ssyncadd.s32 @!p0 s1  }
0x27e: {  	[bflag:$0x3] =	sbarrier.arrive $0xFFFF  }
0x27f: {  	_ =	shalt  }

</sc_bundles>
